<compile_context>
chip_gen: v7x
topology: tpu7x:2x2x1
jax: 0.10.2.dev20260603
libtpu: 0.0.44.dev20260713+nightly
codegen_flags: <defaults>
</compile_context>

<pallas_src>
import dataclasses
import functools

import jax
import jax.numpy as jnp
from jax import lax
from jax.experimental import pallas as pl
from jax.experimental.pallas import tpu as pltpu
from jax.experimental.pallas import tpu_sc as plsc

_K = 11
_BN = 1024
_NW = 32


def _topk_body(p_ref, st_ref, idx_ref):
    p = p_ref[0]
    st = st_ref[0]
    m = st.shape[1]
    bn = p.shape[0]
    nc = m // 128
    dist = None
    for d in range(3):
        diff = p[:, d:d + 1] - st[d:d + 1, :]
        dist = diff * diff if dist is None else dist + diff * diff
    bits = lax.bitcast_convert_type(dist, jnp.int32)
    chunks = [
        lax.bitcast_convert_type(
            (bits[:, c * 128:(c + 1) * 128] & jnp.int32(~15)) | jnp.int32(c),
            jnp.float32)
        for c in range(nc)
    ]
    lane_iota = lax.convert_element_type(
        lax.broadcasted_iota(jnp.int32, (bn, 128), 1), jnp.float32)
    inf = jnp.float32(jnp.inf)
    depth = 6
    lists = [jnp.full((bn, 128), inf, jnp.float32) for _ in range(depth)]
    for c in range(nc):
        x = chunks[c]
        for i in range(depth):
            lo = jnp.minimum(lists[i], x)
            x = jnp.maximum(lists[i], x)
            lists[i] = lo
    for k in range(_K):
        head = lists[0]
        mn = jnp.min(head, axis=1, keepdims=True)
        lane_f = jnp.min(jnp.where(head == mn, lane_iota, jnp.float32(128.0)),
                         axis=1, keepdims=True)
        lane = lax.convert_element_type(lane_f, jnp.int32)
        mn_bits = lax.bitcast_convert_type(mn, jnp.int32)
        idx_ref[0, :, k:k + 1] = (mn_bits & 15) * 128 + lane
        if k < _K - 1:
            is_l = lane_iota == lane_f
            for i in range(depth - 1):
                lists[i] = jnp.where(is_l, lists[i + 1], lists[i])
            lists[depth - 1] = jnp.where(is_l, inf, lists[depth - 1])


def _topk_indices(points, spoints_t, interpret=False):
    b, n, _ = points.shape
    m = spoints_t.shape[2]
    return pl.pallas_call(
        _topk_body,
        grid=(b, n // _BN),
        in_specs=[
            pl.BlockSpec((1, _BN, 3), lambda bi, i: (bi, i, 0)),
            pl.BlockSpec((1, 3, m), lambda bi, i: (bi, 0, 0)),
        ],
        out_specs=pl.BlockSpec((1, _BN, _K), lambda bi, i: (bi, i, 0)),
        out_shape=jax.ShapeDtypeStruct((b, n, _K), jnp.int32),
        interpret=interpret,
    )(points, spoints_t)


def _edge_min(idx_w, points_t, spoints_t):
    b, _, n = points_t.shape
    m = spoints_t.shape[2]
    total = b * n
    ppw = total // _NW
    wpb = _NW // b
    mesh = plsc.VectorSubcoreMesh(core_axis_name="c", subcore_axis_name="s")
    cp = pltpu.CompilerParams()
    if "needs_layout_passes" in pltpu.CompilerParams.__dataclass_fields__:
        cp = dataclasses.replace(cp, needs_layout_passes=False)

    @functools.partial(
        pl.kernel,
        out_type=jax.ShapeDtypeStruct((total,), jnp.float32),
        mesh=mesh,
        compiler_params=cp,
        scratch_types=[
            pltpu.VMEM((3, m), jnp.float32),
            pltpu.VMEM((3, ppw), jnp.float32),
            pltpu.VMEM((_K, ppw), jnp.int32),
            pltpu.VMEM((ppw,), jnp.float32),
        ],
    )
    def body(idx_hbm, p_hbm, s_hbm, out_hbm, sv, pv, iv, ov):
        wid = lax.axis_index("s") * 2 + lax.axis_index("c")
        bi = wid // wpb
        nbase = (wid % wpb) * ppw
        base = wid * ppw
        pltpu.sync_copy(s_hbm.at[bi], sv)
        pltpu.sync_copy(p_hbm.at[bi, :, pl.ds(nbase, ppw)], pv)
        pltpu.sync_copy(idx_hbm.at[wid], iv)

        row0 = jnp.zeros((16,), jnp.int32)
        row1 = jnp.full((16,), 1, jnp.int32)
        row2 = jnp.full((16,), 2, jnp.int32)

        @pl.loop(0, ppw, step=16)
        def _chunk(c):
            sl = pl.ds(c, 16)
            pxv, pyv, pzv = pv[0, sl], pv[1, sl], pv[2, sl]
            i0 = iv[0, sl]
            c0x = plsc.load_gather(sv, [row0, i0])
            c0y = plsc.load_gather(sv, [row1, i0])
            c0z = plsc.load_gather(sv, [row2, i0])
            d0x, d0y, d0z = pxv - c0x, pyv - c0y, pzv - c0z
            d0 = d0x * d0x + d0y * d0y + d0z * d0z
            acc = jnp.full((16,), jnp.inf, jnp.float32)
            for j in range(1, _K):
                ij = iv[j, sl]
                cjx = plsc.load_gather(sv, [row0, ij])
                cjy = plsc.load_gather(sv, [row1, ij])
                cjz = plsc.load_gather(sv, [row2, ij])
                ex, ey, ez = cjx - c0x, cjy - c0y, cjz - c0z
                lsq = ex * ex + ey * ey + ez * ez
                qx, qy, qz = pxv - cjx, pyv - cjy, pzv - cjz
                dj = qx * qx + qy * qy + qz * qz
                diff = dj - d0
                val = (diff * diff) / (4.0 * lsq)
                acc = jnp.minimum(acc, val)
            ov[sl] = acc

        pltpu.sync_copy(ov, out_hbm.at[pl.ds(base, ppw)])

    return body(idx_w, points_t, spoints_t)


def kernel(points, spoints):
    b, n, _ = points.shape
    total = b * n
    ppw = total // _NW
    spoints_t = jnp.transpose(spoints, (0, 2, 1))
    idx = _topk_indices(points, spoints_t)
    idx_w = idx.reshape(_NW, ppw, _K).transpose(0, 2, 1)
    points_t = jnp.transpose(points, (0, 2, 1))
    out = _edge_min(idx_w, points_t, spoints_t)
    return out.reshape(b, n)

# --- scband reference (transcript-rebuilt; emitter-appended) ---
"""Pipeline reference for scband-voronoi-base-nn-81286551044462 (READ-ONLY COPY).

The authoritative reference and input builder live on the scoring server;
editing this copy changes nothing except your own understanding.
"""

import jax, jax.numpy as jnp
import numpy as np

KNN = 11


def setup_inputs(seed: int = 0) -> dict:
    key = jax.random.key(seed)
    k1, k2 = jax.random.split(key)
    points = jax.random.normal(k1, (2, 4096, 3), dtype=jnp.float32)
    spoints = jax.random.normal(k2, (2, 2048, 3), dtype=jnp.float32)
    return {"points": points, "spoints": spoints}


def reference(points, spoints):
    # weighted_voronoi_dist: squared euclidean pairwise distances [B, N, M]
    dist = ((points[:, :, None, :] - spoints[:, None, :, :]) ** 2).sum(-1)
    # closest_cells: indices of KNN smallest distances, sorted ascending
    _, indices = jax.lax.top_k(-dist, KNN)  # [B, N, KNN]
    # inside_cell = gather(spoints, indices[:,:,0])  -> [B, N, 3]
    inside_cell = jnp.take_along_axis(spoints, indices[:, :, 0][:, :, None], axis=1)
    point_to_voronoi_center = points - inside_cell  # [B, N, 3]
    # gather neighbor centers for indices 1..KNN-1 -> [B, N, KNN-1, 3]
    neighbors = jax.vmap(lambda sp, idx: sp[idx])(spoints, indices[:, :, 1:])
    voronoi_edge = neighbors - inside_cell[:, :, None, :]  # [B, N, KNN-1, 3]
    voronoi_edge_l = jnp.sqrt((voronoi_edge ** 2).sum(-1))  # [B, N, KNN-1]
    vector_length = (point_to_voronoi_center[:, :, None, :] * voronoi_edge).sum(-1) / voronoi_edge_l
    sq_dist = (vector_length - voronoi_edge_l / 2) ** 2
    return sq_dist.min(-1)  # [B, N]

if __name__ == "__main__":
    import jax
    _d = setup_inputs()
    print(jax.jit(kernel)(*tuple(_d.values())))

</pallas_src>

<mosaic_0001>
#map = affine_map<(d0, d1) -> (0, 0, 0)>
#map1 = affine_map<(d0, d1) -> (0)>
module attributes {stable_mosaic.version = 14 : i64} {
  func.func @body(%arg0: i32, %arg1: i32, %arg2: memref<32x11x256xi32, #tpu.memory_space<hbm>>, %arg3: memref<2x3x4096xf32, #tpu.memory_space<hbm>>, %arg4: memref<2x3x2048xf32, #tpu.memory_space<hbm>>, %arg5: memref<8192xf32, #tpu.memory_space<hbm>>, %arg6: memref<3x2048xf32, #tpu.memory_space<vmem>>, %arg7: memref<3x256xf32, #tpu.memory_space<vmem>>, %arg8: memref<11x256xi32, #tpu.memory_space<vmem>>, %arg9: memref<256xf32, #tpu.memory_space<vmem>>) attributes {dimension_semantics = [#tpu.dimension_semantics<core_parallel>, #tpu.dimension_semantics<subcore_parallel>], iteration_bounds = array<i64: 2, 16>, scalar_prefetch = 0 : i64, scratch_operands = 4 : i64, tpu.core_type = #tpu.core_type<sc_vector_subcore>, window_params = [{transform_indices = #map}, {transform_indices = #map}, {transform_indices = #map}, {transform_indices = #map1}]} {
    %mul3A = arith.constant 2 : i32
    %mul3A_0 = arith.muli %arg1, %mul3A : i32
    %add3A = arith.addi %mul3A_0, %arg0 : i32
    %jit3A = arith.constant 16 : i32
    %div3A = arith.divsi %add3A, %jit3A : i32
    %sign3A = arith.constant 0 : i32
    %sign3A_1 = arith.cmpi sgt, %add3A, %sign3A : i32
    %sign3A_2 = arith.extui %sign3A_1 : i1 to i32
    %sign3A_3 = arith.constant 0 : i32
    %sign3A_4 = arith.cmpi slt, %add3A, %sign3A_3 : i32
    %sign3A_5 = arith.extui %sign3A_4 : i1 to i32
    %sign3A_6 = arith.subi %sign3A_2, %sign3A_5 : i32
    %sign3A_7 = arith.constant 0 : i32
    %sign3A_8 = arith.cmpi sgt, %jit3A, %sign3A_7 : i32
    %sign3A_9 = arith.extui %sign3A_8 : i1 to i32
    %sign3A_10 = arith.constant 0 : i32
    %sign3A_11 = arith.cmpi slt, %jit3A, %sign3A_10 : i32
    %sign3A_12 = arith.extui %sign3A_11 : i1 to i32
    %sign3A_13 = arith.subi %sign3A_9, %sign3A_12 : i32
    %ne3A = arith.cmpi ne, %sign3A_6, %sign3A_13 : i32
    %rem3A = arith.remsi %add3A, %jit3A : i32
    %ne3A_14 = arith.constant 0 : i32
    %ne3A_15 = arith.cmpi ne, %rem3A, %ne3A_14 : i32
    %and3A = arith.andi %ne3A, %ne3A_15 : i1
    %sub3A = arith.constant 1 : i32
    %sub3A_16 = arith.subi %div3A, %sub3A : i32
    %select_n3A = arith.select %and3A, %sub3A_16, %div3A : i32
    %jit3A_17 = arith.constant 16 : i32
    %eq3A = arith.constant 0 : i32
    %eq3A_18 = arith.cmpi eq, %jit3A_17, %eq3A : i32
    %jit3A_19 = arith.constant 1 : i32
    %select_n3A_20 = arith.select %eq3A_18, %jit3A_19, %jit3A_17 : i32
    %rem3A_21 = arith.remsi %add3A, %select_n3A_20 : i32
    %ne3A_22 = arith.constant 0 : i32
    %ne3A_23 = arith.cmpi ne, %rem3A_21, %ne3A_22 : i32
    %lt3A = arith.constant 0 : i32
    %lt3A_24 = arith.cmpi slt, %rem3A_21, %lt3A : i32
    %lt3A_25 = arith.constant 0 : i32
    %lt3A_26 = arith.cmpi slt, %select_n3A_20, %lt3A_25 : i32
    %ne3A_27 = arith.xori %lt3A_24, %lt3A_26 : i1
    %and3A_28 = arith.andi %ne3A_27, %ne3A_23 : i1
    %add3A_29 = arith.addi %rem3A_21, %select_n3A_20 : i32
    %select_n3A_30 = arith.select %and3A_28, %add3A_29, %rem3A_21 : i32
    %mul3A_31 = arith.constant 256 : i32
    %mul3A_32 = arith.muli %select_n3A_30, %mul3A_31 : i32
    %mul3A_33 = arith.constant 256 : i32
    %mul3A_34 = arith.muli %add3A, %mul3A_33 : i32
    "tpu.region"() ({
      %run_scoped3A = tpu.sem_alloc : memref<!tpu.dma_semaphore, #tpu.memory_space<semaphore_mem>>
      %dma_start3A = arith.constant 0 : i32
      %dma_start3A_44 = arith.constant 0 : i32
      %dma_start3A_45 = tpu.memref_slice %arg4[%select_n3A, %dma_start3A, %dma_start3A_44] : memref<2x3x2048xf32, #tpu.memory_space<hbm>> -> memref<1x3x2048xf32, #tpu.memory_space<hbm>>
      %dma_start3A_46 = tpu.memref_squeeze %dma_start3A_45 : memref<1x3x2048xf32, #tpu.memory_space<hbm>> -> memref<3x2048xf32, #tpu.memory_space<hbm>>
      %dma_start3A_47 = arith.constant 0 : i32
      %dma_start3A_48 = arith.constant 0 : i32
      %dma_start3A_49 = tpu.memref_slice %arg4[%select_n3A, %dma_start3A_47, %dma_start3A_48] : memref<2x3x2048xf32, #tpu.memory_space<hbm>> -> memref<1x3x2048xf32, #tpu.memory_space<hbm>>
      %dma_start3A_50 = tpu.memref_squeeze %dma_start3A_49 : memref<1x3x2048xf32, #tpu.memory_space<hbm>> -> memref<3x2048xf32, #tpu.memory_space<hbm>>
      tpu.enqueue_dma source(%dma_start3A_50 : memref<3x2048xf32, #tpu.memory_space<hbm>>) target(%arg6 : memref<3x2048xf32, #tpu.memory_space<vmem>>) target_semaphore(%run_scoped3A : memref<!tpu.dma_semaphore, #tpu.memory_space<semaphore_mem>>)
      %dma_wait3A = arith.constant 0 : i32
      %dma_wait3A_51 = arith.constant 0 : i32
      %dma_wait3A_52 = tpu.memref_slice %arg4[%select_n3A, %dma_wait3A, %dma_wait3A_51] : memref<2x3x2048xf32, #tpu.memory_space<hbm>> -> memref<1x3x2048xf32, #tpu.memory_space<hbm>>
      %dma_wait3A_53 = tpu.memref_squeeze %dma_wait3A_52 : memref<1x3x2048xf32, #tpu.memory_space<hbm>> -> memref<3x2048xf32, #tpu.memory_space<hbm>>
      %dma_wait3A_54 = arith.constant 0 : i32
      %dma_wait3A_55 = arith.constant 0 : i32
      %dma_wait3A_56 = tpu.memref_slice %arg4[%select_n3A, %dma_wait3A_54, %dma_wait3A_55] : memref<2x3x2048xf32, #tpu.memory_space<hbm>> -> memref<1x3x2048xf32, #tpu.memory_space<hbm>>
      %dma_wait3A_57 = tpu.memref_squeeze %dma_wait3A_56 : memref<1x3x2048xf32, #tpu.memory_space<hbm>> -> memref<3x2048xf32, #tpu.memory_space<hbm>>
      tpu.wait_dma2 semaphore(%run_scoped3A : memref<!tpu.dma_semaphore, #tpu.memory_space<semaphore_mem>>) src(%dma_wait3A_57 : memref<3x2048xf32, #tpu.memory_space<hbm>>) dst(%arg6 : memref<3x2048xf32, #tpu.memory_space<vmem>>)
      tpu.yield
    }) : () -> ()
    "tpu.region"() ({
      %run_scoped3A = tpu.sem_alloc : memref<!tpu.dma_semaphore, #tpu.memory_space<semaphore_mem>>
      %dma_start3A = arith.constant 0 : i32
      %dma_start3A_44 = tpu.memref_slice %arg3[%select_n3A, %dma_start3A, %mul3A_32] : memref<2x3x4096xf32, #tpu.memory_space<hbm>> -> memref<1x3x256xf32, #tpu.memory_space<hbm>>
      %dma_start3A_45 = tpu.memref_squeeze %dma_start3A_44 : memref<1x3x256xf32, #tpu.memory_space<hbm>> -> memref<3x256xf32, #tpu.memory_space<hbm>>
      %dma_start3A_46 = arith.constant 0 : i32
      %dma_start3A_47 = tpu.memref_slice %arg3[%select_n3A, %dma_start3A_46, %mul3A_32] : memref<2x3x4096xf32, #tpu.memory_space<hbm>> -> memref<1x3x256xf32, #tpu.memory_space<hbm>>
      %dma_start3A_48 = tpu.memref_squeeze %dma_start3A_47 : memref<1x3x256xf32, #tpu.memory_space<hbm>> -> memref<3x256xf32, #tpu.memory_space<hbm>>
      tpu.enqueue_dma source(%dma_start3A_48 : memref<3x256xf32, #tpu.memory_space<hbm>>) target(%arg7 : memref<3x256xf32, #tpu.memory_space<vmem>>) target_semaphore(%run_scoped3A : memref<!tpu.dma_semaphore, #tpu.memory_space<semaphore_mem>>)
      %dma_wait3A = arith.constant 0 : i32
      %dma_wait3A_49 = tpu.memref_slice %arg3[%select_n3A, %dma_wait3A, %mul3A_32] : memref<2x3x4096xf32, #tpu.memory_space<hbm>> -> memref<1x3x256xf32, #tpu.memory_space<hbm>>
      %dma_wait3A_50 = tpu.memref_squeeze %dma_wait3A_49 : memref<1x3x256xf32, #tpu.memory_space<hbm>> -> memref<3x256xf32, #tpu.memory_space<hbm>>
      %dma_wait3A_51 = arith.constant 0 : i32
      %dma_wait3A_52 = tpu.memref_slice %arg3[%select_n3A, %dma_wait3A_51, %mul3A_32] : memref<2x3x4096xf32, #tpu.memory_space<hbm>> -> memref<1x3x256xf32, #tpu.memory_space<hbm>>
      %dma_wait3A_53 = tpu.memref_squeeze %dma_wait3A_52 : memref<1x3x256xf32, #tpu.memory_space<hbm>> -> memref<3x256xf32, #tpu.memory_space<hbm>>
      tpu.wait_dma2 semaphore(%run_scoped3A : memref<!tpu.dma_semaphore, #tpu.memory_space<semaphore_mem>>) src(%dma_wait3A_53 : memref<3x256xf32, #tpu.memory_space<hbm>>) dst(%arg7 : memref<3x256xf32, #tpu.memory_space<vmem>>)
      tpu.yield
    }) : () -> ()
    "tpu.region"() ({
      %run_scoped3A = tpu.sem_alloc : memref<!tpu.dma_semaphore, #tpu.memory_space<semaphore_mem>>
      %dma_start3A = arith.constant 0 : i32
      %dma_start3A_44 = arith.constant 0 : i32
      %dma_start3A_45 = tpu.memref_slice %arg2[%add3A, %dma_start3A, %dma_start3A_44] : memref<32x11x256xi32, #tpu.memory_space<hbm>> -> memref<1x11x256xi32, #tpu.memory_space<hbm>>
      %dma_start3A_46 = tpu.memref_squeeze %dma_start3A_45 : memref<1x11x256xi32, #tpu.memory_space<hbm>> -> memref<11x256xi32, #tpu.memory_space<hbm>>
      %dma_start3A_47 = arith.constant 0 : i32
      %dma_start3A_48 = arith.constant 0 : i32
      %dma_start3A_49 = tpu.memref_slice %arg2[%add3A, %dma_start3A_47, %dma_start3A_48] : memref<32x11x256xi32, #tpu.memory_space<hbm>> -> memref<1x11x256xi32, #tpu.memory_space<hbm>>
      %dma_start3A_50 = tpu.memref_squeeze %dma_start3A_49 : memref<1x11x256xi32, #tpu.memory_space<hbm>> -> memref<11x256xi32, #tpu.memory_space<hbm>>
      tpu.enqueue_dma source(%dma_start3A_50 : memref<11x256xi32, #tpu.memory_space<hbm>>) target(%arg8 : memref<11x256xi32, #tpu.memory_space<vmem>>) target_semaphore(%run_scoped3A : memref<!tpu.dma_semaphore, #tpu.memory_space<semaphore_mem>>)
      %dma_wait3A = arith.constant 0 : i32
      %dma_wait3A_51 = arith.constant 0 : i32
      %dma_wait3A_52 = tpu.memref_slice %arg2[%add3A, %dma_wait3A, %dma_wait3A_51] : memref<32x11x256xi32, #tpu.memory_space<hbm>> -> memref<1x11x256xi32, #tpu.memory_space<hbm>>
      %dma_wait3A_53 = tpu.memref_squeeze %dma_wait3A_52 : memref<1x11x256xi32, #tpu.memory_space<hbm>> -> memref<11x256xi32, #tpu.memory_space<hbm>>
      %dma_wait3A_54 = arith.constant 0 : i32
      %dma_wait3A_55 = arith.constant 0 : i32
      %dma_wait3A_56 = tpu.memref_slice %arg2[%add3A, %dma_wait3A_54, %dma_wait3A_55] : memref<32x11x256xi32, #tpu.memory_space<hbm>> -> memref<1x11x256xi32, #tpu.memory_space<hbm>>
      %dma_wait3A_57 = tpu.memref_squeeze %dma_wait3A_56 : memref<1x11x256xi32, #tpu.memory_space<hbm>> -> memref<11x256xi32, #tpu.memory_space<hbm>>
      tpu.wait_dma2 semaphore(%run_scoped3A : memref<!tpu.dma_semaphore, #tpu.memory_space<semaphore_mem>>) src(%dma_wait3A_57 : memref<11x256xi32, #tpu.memory_space<hbm>>) dst(%arg8 : memref<11x256xi32, #tpu.memory_space<vmem>>)
      tpu.yield
    }) : () -> ()
    %broadcast_in_dim3A = arith.constant 0 : i32
    %broadcast_in_dim3A_35 = vector.broadcast %broadcast_in_dim3A : i32 to vector<16xi32>
    %broadcast_in_dim3A_36 = arith.constant 1 : i32
    %broadcast_in_dim3A_37 = vector.broadcast %broadcast_in_dim3A_36 : i32 to vector<16xi32>
    %broadcast_in_dim3A_38 = arith.constant 2 : i32
    %broadcast_in_dim3A_39 = vector.broadcast %broadcast_in_dim3A_38 : i32 to vector<16xi32>
    %scan3A = arith.constant 0 : i32
    %scan3A_40 = arith.constant 16 : i32
    %scan3A_41 = arith.addi %scan3A, %scan3A_40 : i32
    %scan3A_42 = arith.constant 1 : i32
    scf.for %scan3A_44 = %scan3A to %scan3A_41 step %scan3A_42  : i32 {
      %mul3A_45 = arith.constant 16 : i32
      %mul3A_46 = arith.muli %scan3A_44, %mul3A_45 : i32
      %add3A_47 = arith.constant 0 : i32
      %add3A_48 = arith.addi %add3A_47, %mul3A_46 : i32
      %get3A = arith.constant 0 : i32
      %get3A_49 = arith.index_cast %get3A : i32 to index
      %get3A_50 = arith.index_cast %add3A_48 : i32 to index
      %get3A_51 = tpu.vector_load %arg7[%get3A_49, %get3A_50] {strides = array<i32>} : memref<3x256xf32, #tpu.memory_space<vmem>>, vector<16xf32>,
      %get3A_52 = arith.constant 1 : i32
      %get3A_53 = arith.index_cast %get3A_52 : i32 to index
      %get3A_54 = arith.index_cast %add3A_48 : i32 to index
      %get3A_55 = tpu.vector_load %arg7[%get3A_53, %get3A_54] {strides = array<i32>} : memref<3x256xf32, #tpu.memory_space<vmem>>, vector<16xf32>,
      %get3A_56 = arith.constant 2 : i32
      %get3A_57 = arith.index_cast %get3A_56 : i32 to index
      %get3A_58 = arith.index_cast %add3A_48 : i32 to index
      %get3A_59 = tpu.vector_load %arg7[%get3A_57, %get3A_58] {strides = array<i32>} : memref<3x256xf32, #tpu.memory_space<vmem>>, vector<16xf32>,
      %get3A_60 = arith.constant 0 : i32
      %get3A_61 = arith.index_cast %get3A_60 : i32 to index
      %get3A_62 = arith.index_cast %add3A_48 : i32 to index
      %get3A_63 = tpu.vector_load %arg8[%get3A_61, %get3A_62] {strides = array<i32>} : memref<11x256xi32, #tpu.memory_space<vmem>>, vector<16xi32>,
      %gather3A = tpu.vector_load_idx %arg6[%broadcast_in_dim3A_35, %get3A_63] : memref<3x2048xf32, #tpu.memory_space<vmem>>[vector<16xi32>, vector<16xi32>], vector<16xf32>,
      %gather3A_64 = tpu.vector_load_idx %arg6[%broadcast_in_dim3A_37, %get3A_63] : memref<3x2048xf32, #tpu.memory_space<vmem>>[vector<16xi32>, vector<16xi32>], vector<16xf32>,
      %gather3A_65 = tpu.vector_load_idx %arg6[%broadcast_in_dim3A_39, %get3A_63] : memref<3x2048xf32, #tpu.memory_space<vmem>>[vector<16xi32>, vector<16xi32>], vector<16xf32>,
      %sub3A_66 = arith.subf %get3A_51, %gather3A : vector<16xf32>
      %sub3A_67 = arith.subf %get3A_55, %gather3A_64 : vector<16xf32>
      %sub3A_68 = arith.subf %get3A_59, %gather3A_65 : vector<16xf32>
      %mul3A_69 = arith.mulf %sub3A_66, %sub3A_66 : vector<16xf32>
      %mul3A_70 = arith.mulf %sub3A_67, %sub3A_67 : vector<16xf32>
      %add3A_71 = arith.addf %mul3A_69, %mul3A_70 : vector<16xf32>
      %mul3A_72 = arith.mulf %sub3A_68, %sub3A_68 : vector<16xf32>
      %add3A_73 = arith.addf %add3A_71, %mul3A_72 : vector<16xf32>
      %broadcast_in_dim3A_74 = arith.constant 0x7F800000 : f32
      %broadcast_in_dim3A_75 = vector.broadcast %broadcast_in_dim3A_74 : f32 to vector<16xf32>
      %get3A_76 = arith.constant 1 : i32
      %get3A_77 = arith.index_cast %get3A_76 : i32 to index
      %get3A_78 = arith.index_cast %add3A_48 : i32 to index
      %get3A_79 = tpu.vector_load %arg8[%get3A_77, %get3A_78] {strides = array<i32>} : memref<11x256xi32, #tpu.memory_space<vmem>>, vector<16xi32>,
      %gather3A_80 = tpu.vector_load_idx %arg6[%broadcast_in_dim3A_35, %get3A_79] : memref<3x2048xf32, #tpu.memory_space<vmem>>[vector<16xi32>, vector<16xi32>], vector<16xf32>,
      %gather3A_81 = tpu.vector_load_idx %arg6[%broadcast_in_dim3A_37, %get3A_79] : memref<3x2048xf32, #tpu.memory_space<vmem>>[vector<16xi32>, vector<16xi32>], vector<16xf32>,
      %gather3A_82 = tpu.vector_load_idx %arg6[%broadcast_in_dim3A_39, %get3A_79] : memref<3x2048xf32, #tpu.memory_space<vmem>>[vector<16xi32>, vector<16xi32>], vector<16xf32>,
      %sub3A_83 = arith.subf %gather3A_80, %gather3A : vector<16xf32>
      %sub3A_84 = arith.subf %gather3A_81, %gather3A_64 : vector<16xf32>
      %sub3A_85 = arith.subf %gather3A_82, %gather3A_65 : vector<16xf32>
      %mul3A_86 = arith.mulf %sub3A_83, %sub3A_83 : vector<16xf32>
      %mul3A_87 = arith.mulf %sub3A_84, %sub3A_84 : vector<16xf32>
      %add3A_88 = arith.addf %mul3A_86, %mul3A_87 : vector<16xf32>
      %mul3A_89 = arith.mulf %sub3A_85, %sub3A_85 : vector<16xf32>
      %add3A_90 = arith.addf %add3A_88, %mul3A_89 : vector<16xf32>
      %sub3A_91 = arith.subf %get3A_51, %gather3A_80 : vector<16xf32>
      %sub3A_92 = arith.subf %get3A_55, %gather3A_81 : vector<16xf32>
      %sub3A_93 = arith.subf %get3A_59, %gather3A_82 : vector<16xf32>
      %mul3A_94 = arith.mulf %sub3A_91, %sub3A_91 : vector<16xf32>
      %mul3A_95 = arith.mulf %sub3A_92, %sub3A_92 : vector<16xf32>
      %add3A_96 = arith.addf %mul3A_94, %mul3A_95 : vector<16xf32>
      %mul3A_97 = arith.mulf %sub3A_93, %sub3A_93 : vector<16xf32>
      %add3A_98 = arith.addf %add3A_96, %mul3A_97 : vector<16xf32>
      %sub3A_99 = arith.subf %add3A_98, %add3A_73 : vector<16xf32>
      %mul3A_100 = arith.mulf %sub3A_99, %sub3A_99 : vector<16xf32>
      %mul3A_101 = arith.constant 4.000000e+00 : f32
      %mul3A_102 = vector.broadcast %mul3A_101 : f32 to vector<16xf32>
      %mul3A_103 = arith.mulf %mul3A_102, %add3A_90 : vector<16xf32>
      %div3A_104 = arith.divf %mul3A_100, %mul3A_103 : vector<16xf32>
      %min3A = arith.minimumf %broadcast_in_dim3A_75, %div3A_104 : vector<16xf32>
      %get3A_105 = arith.constant 2 : i32
      %get3A_106 = arith.index_cast %get3A_105 : i32 to index
      %get3A_107 = arith.index_cast %add3A_48 : i32 to index
      %get3A_108 = tpu.vector_load %arg8[%get3A_106, %get3A_107] {strides = array<i32>} : memref<11x256xi32, #tpu.memory_space<vmem>>, vector<16xi32>,
      %gather3A_109 = tpu.vector_load_idx %arg6[%broadcast_in_dim3A_35, %get3A_108] : memref<3x2048xf32, #tpu.memory_space<vmem>>[vector<16xi32>, vector<16xi32>], vector<16xf32>,
      %gather3A_110 = tpu.vector_load_idx %arg6[%broadcast_in_dim3A_37, %get3A_108] : memref<3x2048xf32, #tpu.memory_space<vmem>>[vector<16xi32>, vector<16xi32>], vector<16xf32>,
      %gather3A_111 = tpu.vector_load_idx %arg6[%broadcast_in_dim3A_39, %get3A_108] : memref<3x2048xf32, #tpu.memory_space<vmem>>[vector<16xi32>, vector<16xi32>], vector<16xf32>,
      %sub3A_112 = arith.subf %gather3A_109, %gather3A : vector<16xf32>
      %sub3A_113 = arith.subf %gather3A_110, %gather3A_64 : vector<16xf32>
      %sub3A_114 = arith.subf %gather3A_111, %gather3A_65 : vector<16xf32>
      %mul3A_115 = arith.mulf %sub3A_112, %sub3A_112 : vector<16xf32>
      %mul3A_116 = arith.mulf %sub3A_113, %sub3A_113 : vector<16xf32>
      %add3A_117 = arith.addf %mul3A_115, %mul3A_116 : vector<16xf32>
      %mul3A_118 = arith.mulf %sub3A_114, %sub3A_114 : vector<16xf32>
      %add3A_119 = arith.addf %add3A_117, %mul3A_118 : vector<16xf32>
      %sub3A_120 = arith.subf %get3A_51, %gather3A_109 : vector<16xf32>
      %sub3A_121 = arith.subf %get3A_55, %gather3A_110 : vector<16xf32>
      %sub3A_122 = arith.subf %get3A_59, %gather3A_111 : vector<16xf32>
      %mul3A_123 = arith.mulf %sub3A_120, %sub3A_120 : vector<16xf32>
      %mul3A_124 = arith.mulf %sub3A_121, %sub3A_121 : vector<16xf32>
      %add3A_125 = arith.addf %mul3A_123, %mul3A_124 : vector<16xf32>
      %mul3A_126 = arith.mulf %sub3A_122, %sub3A_122 : vector<16xf32>
      %add3A_127 = arith.addf %add3A_125, %mul3A_126 : vector<16xf32>
      %sub3A_128 = arith.subf %add3A_127, %add3A_73 : vector<16xf32>
      %mul3A_129 = arith.mulf %sub3A_128, %sub3A_128 : vector<16xf32>
      %mul3A_130 = arith.constant 4.000000e+00 : f32
      %mul3A_131 = vector.broadcast %mul3A_130 : f32 to vector<16xf32>
      %mul3A_132 = arith.mulf %mul3A_131, %add3A_119 : vector<16xf32>
      %div3A_133 = arith.divf %mul3A_129, %mul3A_132 : vector<16xf32>
      %min3A_134 = arith.minimumf %min3A, %div3A_133 : vector<16xf32>
      %get3A_135 = arith.constant 3 : i32
      %get3A_136 = arith.index_cast %get3A_135 : i32 to index
      %get3A_137 = arith.index_cast %add3A_48 : i32 to index
      %get3A_138 = tpu.vector_load %arg8[%get3A_136, %get3A_137] {strides = array<i32>} : memref<11x256xi32, #tpu.memory_space<vmem>>, vector<16xi32>,
      %gather3A_139 = tpu.vector_load_idx %arg6[%broadcast_in_dim3A_35, %get3A_138] : memref<3x2048xf32, #tpu.memory_space<vmem>>[vector<16xi32>, vector<16xi32>], vector<16xf32>,
      %gather3A_140 = tpu.vector_load_idx %arg6[%broadcast_in_dim3A_37, %get3A_138] : memref<3x2048xf32, #tpu.memory_space<vmem>>[vector<16xi32>, vector<16xi32>], vector<16xf32>,
      %gather3A_141 = tpu.vector_load_idx %arg6[%broadcast_in_dim3A_39, %get3A_138] : memref<3x2048xf32, #tpu.memory_space<vmem>>[vector<16xi32>, vector<16xi32>], vector<16xf32>,
      %sub3A_142 = arith.subf %gather3A_139, %gather3A : vector<16xf32>
      %sub3A_143 = arith.subf %gather3A_140, %gather3A_64 : vector<16xf32>
      %sub3A_144 = arith.subf %gather3A_141, %gather3A_65 : vector<16xf32>
      %mul3A_145 = arith.mulf %sub3A_142, %sub3A_142 : vector<16xf32>
      %mul3A_146 = arith.mulf %sub3A_143, %sub3A_143 : vector<16xf32>
      %add3A_147 = arith.addf %mul3A_145, %mul3A_146 : vector<16xf32>
      %mul3A_148 = arith.mulf %sub3A_144, %sub3A_144 : vector<16xf32>
      %add3A_149 = arith.addf %add3A_147, %mul3A_148 : vector<16xf32>
      %sub3A_150 = arith.subf %get3A_51, %gather3A_139 : vector<16xf32>
      %sub3A_151 = arith.subf %get3A_55, %gather3A_140 : vector<16xf32>
      %sub3A_152 = arith.subf %get3A_59, %gather3A_141 : vector<16xf32>
      %mul3A_153 = arith.mulf %sub3A_150, %sub3A_150 : vector<16xf32>
      %mul3A_154 = arith.mulf %sub3A_151, %sub3A_151 : vector<16xf32>
      %add3A_155 = arith.addf %mul3A_153, %mul3A_154 : vector<16xf32>
      %mul3A_156 = arith.mulf %sub3A_152, %sub3A_152 : vector<16xf32>
      %add3A_157 = arith.addf %add3A_155, %mul3A_156 : vector<16xf32>
      %sub3A_158 = arith.subf %add3A_157, %add3A_73 : vector<16xf32>
      %mul3A_159 = arith.mulf %sub3A_158, %sub3A_158 : vector<16xf32>
      %mul3A_160 = arith.constant 4.000000e+00 : f32
      %mul3A_161 = vector.broadcast %mul3A_160 : f32 to vector<16xf32>
      %mul3A_162 = arith.mulf %mul3A_161, %add3A_149 : vector<16xf32>
      %div3A_163 = arith.divf %mul3A_159, %mul3A_162 : vector<16xf32>
      %min3A_164 = arith.minimumf %min3A_134, %div3A_163 : vector<16xf32>
      %get3A_165 = arith.constant 4 : i32
      %get3A_166 = arith.index_cast %get3A_165 : i32 to index
      %get3A_167 = arith.index_cast %add3A_48 : i32 to index
      %get3A_168 = tpu.vector_load %arg8[%get3A_166, %get3A_167] {strides = array<i32>} : memref<11x256xi32, #tpu.memory_space<vmem>>, vector<16xi32>,
      %gather3A_169 = tpu.vector_load_idx %arg6[%broadcast_in_dim3A_35, %get3A_168] : memref<3x2048xf32, #tpu.memory_space<vmem>>[vector<16xi32>, vector<16xi32>], vector<16xf32>,
      %gather3A_170 = tpu.vector_load_idx %arg6[%broadcast_in_dim3A_37, %get3A_168] : memref<3x2048xf32, #tpu.memory_space<vmem>>[vector<16xi32>, vector<16xi32>], vector<16xf32>,
      %gather3A_171 = tpu.vector_load_idx %arg6[%broadcast_in_dim3A_39, %get3A_168] : memref<3x2048xf32, #tpu.memory_space<vmem>>[vector<16xi32>, vector<16xi32>], vector<16xf32>,
      %sub3A_172 = arith.subf %gather3A_169, %gather3A : vector<16xf32>
      %sub3A_173 = arith.subf %gather3A_170, %gather3A_64 : vector<16xf32>
      %sub3A_174 = arith.subf %gather3A_171, %gather3A_65 : vector<16xf32>
      %mul3A_175 = arith.mulf %sub3A_172, %sub3A_172 : vector<16xf32>
      %mul3A_176 = arith.mulf %sub3A_173, %sub3A_173 : vector<16xf32>
      %add3A_177 = arith.addf %mul3A_175, %mul3A_176 : vector<16xf32>
      %mul3A_178 = arith.mulf %sub3A_174, %sub3A_174 : vector<16xf32>
      %add3A_179 = arith.addf %add3A_177, %mul3A_178 : vector<16xf32>
      %sub3A_180 = arith.subf %get3A_51, %gather3A_169 : vector<16xf32>
      %sub3A_181 = arith.subf %get3A_55, %gather3A_170 : vector<16xf32>
      %sub3A_182 = arith.subf %get3A_59, %gather3A_171 : vector<16xf32>
      %mul3A_183 = arith.mulf %sub3A_180, %sub3A_180 : vector<16xf32>
      %mul3A_184 = arith.mulf %sub3A_181, %sub3A_181 : vector<16xf32>
      %add3A_185 = arith.addf %mul3A_183, %mul3A_184 : vector<16xf32>
      %mul3A_186 = arith.mulf %sub3A_182, %sub3A_182 : vector<16xf32>
      %add3A_187 = arith.addf %add3A_185, %mul3A_186 : vector<16xf32>
      %sub3A_188 = arith.subf %add3A_187, %add3A_73 : vector<16xf32>
      %mul3A_189 = arith.mulf %sub3A_188, %sub3A_188 : vector<16xf32>
      %mul3A_190 = arith.constant 4.000000e+00 : f32
      %mul3A_191 = vector.broadcast %mul3A_190 : f32 to vector<16xf32>
      %mul3A_192 = arith.mulf %mul3A_191, %add3A_179 : vector<16xf32>
      %div3A_193 = arith.divf %mul3A_189, %mul3A_192 : vector<16xf32>
      %min3A_194 = arith.minimumf %min3A_164, %div3A_193 : vector<16xf32>
      %get3A_195 = arith.constant 5 : i32
      %get3A_196 = arith.index_cast %get3A_195 : i32 to index
      %get3A_197 = arith.index_cast %add3A_48 : i32 to index
      %get3A_198 = tpu.vector_load %arg8[%get3A_196, %get3A_197] {strides = array<i32>} : memref<11x256xi32, #tpu.memory_space<vmem>>, vector<16xi32>,
      %gather3A_199 = tpu.vector_load_idx %arg6[%broadcast_in_dim3A_35, %get3A_198] : memref<3x2048xf32, #tpu.memory_space<vmem>>[vector<16xi32>, vector<16xi32>], vector<16xf32>,
      %gather3A_200 = tpu.vector_load_idx %arg6[%broadcast_in_dim3A_37, %get3A_198] : memref<3x2048xf32, #tpu.memory_space<vmem>>[vector<16xi32>, vector<16xi32>], vector<16xf32>,
      %gather3A_201 = tpu.vector_load_idx %arg6[%broadcast_in_dim3A_39, %get3A_198] : memref<3x2048xf32, #tpu.memory_space<vmem>>[vector<16xi32>, vector<16xi32>], vector<16xf32>,
      %sub3A_202 = arith.subf %gather3A_199, %gather3A : vector<16xf32>
      %sub3A_203 = arith.subf %gather3A_200, %gather3A_64 : vector<16xf32>
      %sub3A_204 = arith.subf %gather3A_201, %gather3A_65 : vector<16xf32>
      %mul3A_205 = arith.mulf %sub3A_202, %sub3A_202 : vector<16xf32>
      %mul3A_206 = arith.mulf %sub3A_203, %sub3A_203 : vector<16xf32>
      %add3A_207 = arith.addf %mul3A_205, %mul3A_206 : vector<16xf32>
      %mul3A_208 = arith.mulf %sub3A_204, %sub3A_204 : vector<16xf32>
      %add3A_209 = arith.addf %add3A_207, %mul3A_208 : vector<16xf32>
      %sub3A_210 = arith.subf %get3A_51, %gather3A_199 : vector<16xf32>
      %sub3A_211 = arith.subf %get3A_55, %gather3A_200 : vector<16xf32>
      %sub3A_212 = arith.subf %get3A_59, %gather3A_201 : vector<16xf32>
      %mul3A_213 = arith.mulf %sub3A_210, %sub3A_210 : vector<16xf32>
      %mul3A_214 = arith.mulf %sub3A_211, %sub3A_211 : vector<16xf32>
      %add3A_215 = arith.addf %mul3A_213, %mul3A_214 : vector<16xf32>
      %mul3A_216 = arith.mulf %sub3A_212, %sub3A_212 : vector<16xf32>
      %add3A_217 = arith.addf %add3A_215, %mul3A_216 : vector<16xf32>
      %sub3A_218 = arith.subf %add3A_217, %add3A_73 : vector<16xf32>
      %mul3A_219 = arith.mulf %sub3A_218, %sub3A_218 : vector<16xf32>
      %mul3A_220 = arith.constant 4.000000e+00 : f32
      %mul3A_221 = vector.broadcast %mul3A_220 : f32 to vector<16xf32>
      %mul3A_222 = arith.mulf %mul3A_221, %add3A_209 : vector<16xf32>
      %div3A_223 = arith.divf %mul3A_219, %mul3A_222 : vector<16xf32>
      %min3A_224 = arith.minimumf %min3A_194, %div3A_223 : vector<16xf32>
      %get3A_225 = arith.constant 6 : i32
      %get3A_226 = arith.index_cast %get3A_225 : i32 to index
      %get3A_227 = arith.index_cast %add3A_48 : i32 to index
      %get3A_228 = tpu.vector_load %arg8[%get3A_226, %get3A_227] {strides = array<i32>} : memref<11x256xi32, #tpu.memory_space<vmem>>, vector<16xi32>,
      %gather3A_229 = tpu.vector_load_idx %arg6[%broadcast_in_dim3A_35, %get3A_228] : memref<3x2048xf32, #tpu.memory_space<vmem>>[vector<16xi32>, vector<16xi32>], vector<16xf32>,
      %gather3A_230 = tpu.vector_load_idx %arg6[%broadcast_in_dim3A_37, %get3A_228] : memref<3x2048xf32, #tpu.memory_space<vmem>>[vector<16xi32>, vector<16xi32>], vector<16xf32>,
      %gather3A_231 = tpu.vector_load_idx %arg6[%broadcast_in_dim3A_39, %get3A_228] : memref<3x2048xf32, #tpu.memory_space<vmem>>[vector<16xi32>, vector<16xi32>], vector<16xf32>,
      %sub3A_232 = arith.subf %gather3A_229, %gather3A : vector<16xf32>
      %sub3A_233 = arith.subf %gather3A_230, %gather3A_64 : vector<16xf32>
      %sub3A_234 = arith.subf %gather3A_231, %gather3A_65 : vector<16xf32>
      %mul3A_235 = arith.mulf %sub3A_232, %sub3A_232 : vector<16xf32>
      %mul3A_236 = arith.mulf %sub3A_233, %sub3A_233 : vector<16xf32>
      %add3A_237 = arith.addf %mul3A_235, %mul3A_236 : vector<16xf32>
      %mul3A_238 = arith.mulf %sub3A_234, %sub3A_234 : vector<16xf32>
      %add3A_239 = arith.addf %add3A_237, %mul3A_238 : vector<16xf32>
      %sub3A_240 = arith.subf %get3A_51, %gather3A_229 : vector<16xf32>
      %sub3A_241 = arith.subf %get3A_55, %gather3A_230 : vector<16xf32>
      %sub3A_242 = arith.subf %get3A_59, %gather3A_231 : vector<16xf32>
      %mul3A_243 = arith.mulf %sub3A_240, %sub3A_240 : vector<16xf32>
      %mul3A_244 = arith.mulf %sub3A_241, %sub3A_241 : vector<16xf32>
      %add3A_245 = arith.addf %mul3A_243, %mul3A_244 : vector<16xf32>
      %mul3A_246 = arith.mulf %sub3A_242, %sub3A_242 : vector<16xf32>
      %add3A_247 = arith.addf %add3A_245, %mul3A_246 : vector<16xf32>
      %sub3A_248 = arith.subf %add3A_247, %add3A_73 : vector<16xf32>
      %mul3A_249 = arith.mulf %sub3A_248, %sub3A_248 : vector<16xf32>
      %mul3A_250 = arith.constant 4.000000e+00 : f32
      %mul3A_251 = vector.broadcast %mul3A_250 : f32 to vector<16xf32>
      %mul3A_252 = arith.mulf %mul3A_251, %add3A_239 : vector<16xf32>
      %div3A_253 = arith.divf %mul3A_249, %mul3A_252 : vector<16xf32>
      %min3A_254 = arith.minimumf %min3A_224, %div3A_253 : vector<16xf32>
      %get3A_255 = arith.constant 7 : i32
      %get3A_256 = arith.index_cast %get3A_255 : i32 to index
      %get3A_257 = arith.index_cast %add3A_48 : i32 to index
      %get3A_258 = tpu.vector_load %arg8[%get3A_256, %get3A_257] {strides = array<i32>} : memref<11x256xi32, #tpu.memory_space<vmem>>, vector<16xi32>,
      %gather3A_259 = tpu.vector_load_idx %arg6[%broadcast_in_dim3A_35, %get3A_258] : memref<3x2048xf32, #tpu.memory_space<vmem>>[vector<16xi32>, vector<16xi32>], vector<16xf32>,
      %gather3A_260 = tpu.vector_load_idx %arg6[%broadcast_in_dim3A_37, %get3A_258] : memref<3x2048xf32, #tpu.memory_space<vmem>>[vector<16xi32>, vector<16xi32>], vector<16xf32>,
      %gather3A_261 = tpu.vector_load_idx %arg6[%broadcast_in_dim3A_39, %get3A_258] : memref<3x2048xf32, #tpu.memory_space<vmem>>[vector<16xi32>, vector<16xi32>], vector<16xf32>,
      %sub3A_262 = arith.subf %gather3A_259, %gather3A : vector<16xf32>
      %sub3A_263 = arith.subf %gather3A_260, %gather3A_64 : vector<16xf32>
      %sub3A_264 = arith.subf %gather3A_261, %gather3A_65 : vector<16xf32>
      %mul3A_265 = arith.mulf %sub3A_262, %sub3A_262 : vector<16xf32>
      %mul3A_266 = arith.mulf %sub3A_263, %sub3A_263 : vector<16xf32>
      %add3A_267 = arith.addf %mul3A_265, %mul3A_266 : vector<16xf32>
      %mul3A_268 = arith.mulf %sub3A_264, %sub3A_264 : vector<16xf32>
      %add3A_269 = arith.addf %add3A_267, %mul3A_268 : vector<16xf32>
      %sub3A_270 = arith.subf %get3A_51, %gather3A_259 : vector<16xf32>
      %sub3A_271 = arith.subf %get3A_55, %gather3A_260 : vector<16xf32>
      %sub3A_272 = arith.subf %get3A_59, %gather3A_261 : vector<16xf32>
      %mul3A_273 = arith.mulf %sub3A_270, %sub3A_270 : vector<16xf32>
      %mul3A_274 = arith.mulf %sub3A_271, %sub3A_271 : vector<16xf32>
      %add3A_275 = arith.addf %mul3A_273, %mul3A_274 : vector<16xf32>
      %mul3A_276 = arith.mulf %sub3A_272, %sub3A_272 : vector<16xf32>
      %add3A_277 = arith.addf %add3A_275, %mul3A_276 : vector<16xf32>
      %sub3A_278 = arith.subf %add3A_277, %add3A_73 : vector<16xf32>
      %mul3A_279 = arith.mulf %sub3A_278, %sub3A_278 : vector<16xf32>
      %mul3A_280 = arith.constant 4.000000e+00 : f32
      %mul3A_281 = vector.broadcast %mul3A_280 : f32 to vector<16xf32>
      %mul3A_282 = arith.mulf %mul3A_281, %add3A_269 : vector<16xf32>
      %div3A_283 = arith.divf %mul3A_279, %mul3A_282 : vector<16xf32>
      %min3A_284 = arith.minimumf %min3A_254, %div3A_283 : vector<16xf32>
      %get3A_285 = arith.constant 8 : i32
      %get3A_286 = arith.index_cast %get3A_285 : i32 to index
      %get3A_287 = arith.index_cast %add3A_48 : i32 to index
      %get3A_288 = tpu.vector_load %arg8[%get3A_286, %get3A_287] {strides = array<i32>} : memref<11x256xi32, #tpu.memory_space<vmem>>, vector<16xi32>,
      %gather3A_289 = tpu.vector_load_idx %arg6[%broadcast_in_dim3A_35, %get3A_288] : memref<3x2048xf32, #tpu.memory_space<vmem>>[vector<16xi32>, vector<16xi32>], vector<16xf32>,
      %gather3A_290 = tpu.vector_load_idx %arg6[%broadcast_in_dim3A_37, %get3A_288] : memref<3x2048xf32, #tpu.memory_space<vmem>>[vector<16xi32>, vector<16xi32>], vector<16xf32>,
      %gather3A_291 = tpu.vector_load_idx %arg6[%broadcast_in_dim3A_39, %get3A_288] : memref<3x2048xf32, #tpu.memory_space<vmem>>[vector<16xi32>, vector<16xi32>], vector<16xf32>,
      %sub3A_292 = arith.subf %gather3A_289, %gather3A : vector<16xf32>
      %sub3A_293 = arith.subf %gather3A_290, %gather3A_64 : vector<16xf32>
      %sub3A_294 = arith.subf %gather3A_291, %gather3A_65 : vector<16xf32>
      %mul3A_295 = arith.mulf %sub3A_292, %sub3A_292 : vector<16xf32>
      %mul3A_296 = arith.mulf %sub3A_293, %sub3A_293 : vector<16xf32>
      %add3A_297 = arith.addf %mul3A_295, %mul3A_296 : vector<16xf32>
      %mul3A_298 = arith.mulf %sub3A_294, %sub3A_294 : vector<16xf32>
      %add3A_299 = arith.addf %add3A_297, %mul3A_298 : vector<16xf32>
      %sub3A_300 = arith.subf %get3A_51, %gather3A_289 : vector<16xf32>
      %sub3A_301 = arith.subf %get3A_55, %gather3A_290 : vector<16xf32>
      %sub3A_302 = arith.subf %get3A_59, %gather3A_291 : vector<16xf32>
      %mul3A_303 = arith.mulf %sub3A_300, %sub3A_300 : vector<16xf32>
      %mul3A_304 = arith.mulf %sub3A_301, %sub3A_301 : vector<16xf32>
      %add3A_305 = arith.addf %mul3A_303, %mul3A_304 : vector<16xf32>
      %mul3A_306 = arith.mulf %sub3A_302, %sub3A_302 : vector<16xf32>
      %add3A_307 = arith.addf %add3A_305, %mul3A_306 : vector<16xf32>
      %sub3A_308 = arith.subf %add3A_307, %add3A_73 : vector<16xf32>
      %mul3A_309 = arith.mulf %sub3A_308, %sub3A_308 : vector<16xf32>
      %mul3A_310 = arith.constant 4.000000e+00 : f32
      %mul3A_311 = vector.broadcast %mul3A_310 : f32 to vector<16xf32>
      %mul3A_312 = arith.mulf %mul3A_311, %add3A_299 : vector<16xf32>
      %div3A_313 = arith.divf %mul3A_309, %mul3A_312 : vector<16xf32>
      %min3A_314 = arith.minimumf %min3A_284, %div3A_313 : vector<16xf32>
      %get3A_315 = arith.constant 9 : i32
      %get3A_316 = arith.index_cast %get3A_315 : i32 to index
      %get3A_317 = arith.index_cast %add3A_48 : i32 to index
      %get3A_318 = tpu.vector_load %arg8[%get3A_316, %get3A_317] {strides = array<i32>} : memref<11x256xi32, #tpu.memory_space<vmem>>, vector<16xi32>,
      %gather3A_319 = tpu.vector_load_idx %arg6[%broadcast_in_dim3A_35, %get3A_318] : memref<3x2048xf32, #tpu.memory_space<vmem>>[vector<16xi32>, vector<16xi32>], vector<16xf32>,
      %gather3A_320 = tpu.vector_load_idx %arg6[%broadcast_in_dim3A_37, %get3A_318] : memref<3x2048xf32, #tpu.memory_space<vmem>>[vector<16xi32>, vector<16xi32>], vector<16xf32>,
      %gather3A_321 = tpu.vector_load_idx %arg6[%broadcast_in_dim3A_39, %get3A_318] : memref<3x2048xf32, #tpu.memory_space<vmem>>[vector<16xi32>, vector<16xi32>], vector<16xf32>,
      %sub3A_322 = arith.subf %gather3A_319, %gather3A : vector<16xf32>
      %sub3A_323 = arith.subf %gather3A_320, %gather3A_64 : vector<16xf32>
      %sub3A_324 = arith.subf %gather3A_321, %gather3A_65 : vector<16xf32>
      %mul3A_325 = arith.mulf %sub3A_322, %sub3A_322 : vector<16xf32>
      %mul3A_326 = arith.mulf %sub3A_323, %sub3A_323 : vector<16xf32>
      %add3A_327 = arith.addf %mul3A_325, %mul3A_326 : vector<16xf32>
      %mul3A_328 = arith.mulf %sub3A_324, %sub3A_324 : vector<16xf32>
      %add3A_329 = arith.addf %add3A_327, %mul3A_328 : vector<16xf32>
      %sub3A_330 = arith.subf %get3A_51, %gather3A_319 : vector<16xf32>
      %sub3A_331 = arith.subf %get3A_55, %gather3A_320 : vector<16xf32>
      %sub3A_332 = arith.subf %get3A_59, %gather3A_321 : vector<16xf32>
      %mul3A_333 = arith.mulf %sub3A_330, %sub3A_330 : vector<16xf32>
      %mul3A_334 = arith.mulf %sub3A_331, %sub3A_331 : vector<16xf32>
      %add3A_335 = arith.addf %mul3A_333, %mul3A_334 : vector<16xf32>
      %mul3A_336 = arith.mulf %sub3A_332, %sub3A_332 : vector<16xf32>
      %add3A_337 = arith.addf %add3A_335, %mul3A_336 : vector<16xf32>
      %sub3A_338 = arith.subf %add3A_337, %add3A_73 : vector<16xf32>
      %mul3A_339 = arith.mulf %sub3A_338, %sub3A_338 : vector<16xf32>
      %mul3A_340 = arith.constant 4.000000e+00 : f32
      %mul3A_341 = vector.broadcast %mul3A_340 : f32 to vector<16xf32>
      %mul3A_342 = arith.mulf %mul3A_341, %add3A_329 : vector<16xf32>
      %div3A_343 = arith.divf %mul3A_339, %mul3A_342 : vector<16xf32>
      %min3A_344 = arith.minimumf %min3A_314, %div3A_343 : vector<16xf32>
      %get3A_345 = arith.constant 10 : i32
      %get3A_346 = arith.index_cast %get3A_345 : i32 to index
      %get3A_347 = arith.index_cast %add3A_48 : i32 to index
      %get3A_348 = tpu.vector_load %arg8[%get3A_346, %get3A_347] {strides = array<i32>} : memref<11x256xi32, #tpu.memory_space<vmem>>, vector<16xi32>,
      %gather3A_349 = tpu.vector_load_idx %arg6[%broadcast_in_dim3A_35, %get3A_348] : memref<3x2048xf32, #tpu.memory_space<vmem>>[vector<16xi32>, vector<16xi32>], vector<16xf32>,
      %gather3A_350 = tpu.vector_load_idx %arg6[%broadcast_in_dim3A_37, %get3A_348] : memref<3x2048xf32, #tpu.memory_space<vmem>>[vector<16xi32>, vector<16xi32>], vector<16xf32>,
      %gather3A_351 = tpu.vector_load_idx %arg6[%broadcast_in_dim3A_39, %get3A_348] : memref<3x2048xf32, #tpu.memory_space<vmem>>[vector<16xi32>, vector<16xi32>], vector<16xf32>,
      %sub3A_352 = arith.subf %gather3A_349, %gather3A : vector<16xf32>
      %sub3A_353 = arith.subf %gather3A_350, %gather3A_64 : vector<16xf32>
      %sub3A_354 = arith.subf %gather3A_351, %gather3A_65 : vector<16xf32>
      %mul3A_355 = arith.mulf %sub3A_352, %sub3A_352 : vector<16xf32>
      %mul3A_356 = arith.mulf %sub3A_353, %sub3A_353 : vector<16xf32>
      %add3A_357 = arith.addf %mul3A_355, %mul3A_356 : vector<16xf32>
      %mul3A_358 = arith.mulf %sub3A_354, %sub3A_354 : vector<16xf32>
      %add3A_359 = arith.addf %add3A_357, %mul3A_358 : vector<16xf32>
      %sub3A_360 = arith.subf %get3A_51, %gather3A_349 : vector<16xf32>
      %sub3A_361 = arith.subf %get3A_55, %gather3A_350 : vector<16xf32>
      %sub3A_362 = arith.subf %get3A_59, %gather3A_351 : vector<16xf32>
      %mul3A_363 = arith.mulf %sub3A_360, %sub3A_360 : vector<16xf32>
      %mul3A_364 = arith.mulf %sub3A_361, %sub3A_361 : vector<16xf32>
      %add3A_365 = arith.addf %mul3A_363, %mul3A_364 : vector<16xf32>
      %mul3A_366 = arith.mulf %sub3A_362, %sub3A_362 : vector<16xf32>
      %add3A_367 = arith.addf %add3A_365, %mul3A_366 : vector<16xf32>
      %sub3A_368 = arith.subf %add3A_367, %add3A_73 : vector<16xf32>
      %mul3A_369 = arith.mulf %sub3A_368, %sub3A_368 : vector<16xf32>
      %mul3A_370 = arith.constant 4.000000e+00 : f32
      %mul3A_371 = vector.broadcast %mul3A_370 : f32 to vector<16xf32>
      %mul3A_372 = arith.mulf %mul3A_371, %add3A_359 : vector<16xf32>
      %div3A_373 = arith.divf %mul3A_369, %mul3A_372 : vector<16xf32>
      %min3A_374 = arith.minimumf %min3A_344, %div3A_373 : vector<16xf32>
      %swap3A = arith.index_cast %add3A_48 : i32 to index
      %swap3A_375 = tpu.vector_load %arg9[%swap3A] {strides = array<i32>} : memref<256xf32, #tpu.memory_space<vmem>>, vector<16xf32>,
      tpu.vector_store %arg9[%swap3A], %min3A_374 {strides = array<i32>} : memref<256xf32, #tpu.memory_space<vmem>>, vector<16xf32>,
    }
    %scan3A_43 = arith.constant 16 : i32
    "tpu.region"() ({
      %run_scoped3A = tpu.sem_alloc : memref<!tpu.dma_semaphore, #tpu.memory_space<semaphore_mem>>
      %dma_start3A = tpu.memref_slice %arg5[%mul3A_34] : memref<8192xf32, #tpu.memory_space<hbm>> -> memref<256xf32, #tpu.memory_space<hbm>>
      %dma_start3A_44 = tpu.memref_slice %arg5[%mul3A_34] : memref<8192xf32, #tpu.memory_space<hbm>> -> memref<256xf32, #tpu.memory_space<hbm>>
      tpu.enqueue_dma source(%arg9 : memref<256xf32, #tpu.memory_space<vmem>>) target(%dma_start3A_44 : memref<256xf32, #tpu.memory_space<hbm>>) target_semaphore(%run_scoped3A : memref<!tpu.dma_semaphore, #tpu.memory_space<semaphore_mem>>)
      %dma_wait3A = tpu.memref_slice %arg5[%mul3A_34] : memref<8192xf32, #tpu.memory_space<hbm>> -> memref<256xf32, #tpu.memory_space<hbm>>
      %dma_wait3A_45 = tpu.memref_slice %arg5[%mul3A_34] : memref<8192xf32, #tpu.memory_space<hbm>> -> memref<256xf32, #tpu.memory_space<hbm>>
      tpu.wait_dma2 semaphore(%run_scoped3A : memref<!tpu.dma_semaphore, #tpu.memory_space<semaphore_mem>>) src(%arg9 : memref<256xf32, #tpu.memory_space<vmem>>) dst(%dma_wait3A_45 : memref<256xf32, #tpu.memory_space<hbm>>)
      tpu.yield
    }) : () -> ()
    return
  }
}

module attributes {stable_mosaic.version = 14 : i64} {
  func.func @_topk_body(%arg0: i32, %arg1: i32, %arg2: memref<1x1024x3xf32, #tpu.memory_space<vmem>>, %arg3: memref<1x3x2048xf32, #tpu.memory_space<vmem>>, %arg4: memref<1x1024x11xi32, #tpu.memory_space<vmem>>) attributes {dimension_semantics = [#tpu.dimension_semantics<arbitrary>, #tpu.dimension_semantics<arbitrary>], iteration_bounds = array<i64: 2, 4>, scalar_prefetch = 0 : i64, scratch_operands = 0 : i64, tpu.core_type = #tpu.core_type<tc>, window_params = [{transform_indices = @transform_0, window_bounds = array<i64: 1, 1024, 3>}, {transform_indices = @transform_1, window_bounds = array<i64: 1, 3, 2048>}, {transform_indices = @transform_2, window_bounds = array<i64: 1, 1024, 11>}]} {
    %get3A = arith.constant 0 : index
    %get3A_0 = arith.constant 0 : index
    %get3A_1 = arith.constant 0 : index
    %get3A_2 = vector.load %arg2[%get3A, %get3A_0, %get3A_1] : memref<1x1024x3xf32, #tpu.memory_space<vmem>>, vector<1x1024x3xf32>
    %get3A_3 = vector.shape_cast %get3A_2 : vector<1x1024x3xf32> to vector<1024x3xf32>
    %get3A_4 = arith.constant 0 : index
    %get3A_5 = arith.constant 0 : index
    %get3A_6 = arith.constant 0 : index
    %get3A_7 = vector.load %arg3[%get3A_4, %get3A_5, %get3A_6] : memref<1x3x2048xf32, #tpu.memory_space<vmem>>, vector<1x3x2048xf32>
    %get3A_8 = vector.shape_cast %get3A_7 : vector<1x3x2048xf32> to vector<3x2048xf32>
    %slice3A = vector.extract_strided_slice %get3A_3 {offsets = [0, 0], sizes = [1024, 1], strides = [1, 1]} : vector<1024x3xf32> to vector<1024x1xf32>
    %slice3A_9 = vector.extract_strided_slice %get3A_8 {offsets = [0, 0], sizes = [1, 2048], strides = [1, 1]} : vector<3x2048xf32> to vector<1x2048xf32>
    %sub3A = vector.broadcast %slice3A : vector<1024x1xf32> to vector<1024x2048xf32>
    %sub3A_10 = vector.broadcast %slice3A_9 : vector<1x2048xf32> to vector<1024x2048xf32>
    %sub3A_11 = arith.subf %sub3A, %sub3A_10 : vector<1024x2048xf32>
    %mul3A = arith.mulf %sub3A_11, %sub3A_11 : vector<1024x2048xf32>
    %slice3A_12 = vector.extract_strided_slice %get3A_3 {offsets = [0, 1], sizes = [1024, 1], strides = [1, 1]} : vector<1024x3xf32> to vector<1024x1xf32>
    %slice3A_13 = vector.extract_strided_slice %get3A_8 {offsets = [1, 0], sizes = [1, 2048], strides = [1, 1]} : vector<3x2048xf32> to vector<1x2048xf32>
    %sub3A_14 = vector.broadcast %slice3A_12 : vector<1024x1xf32> to vector<1024x2048xf32>
    %sub3A_15 = vector.broadcast %slice3A_13 : vector<1x2048xf32> to vector<1024x2048xf32>
    %sub3A_16 = arith.subf %sub3A_14, %sub3A_15 : vector<1024x2048xf32>
    %mul3A_17 = arith.mulf %sub3A_16, %sub3A_16 : vector<1024x2048xf32>
    %add3A = arith.addf %mul3A, %mul3A_17 : vector<1024x2048xf32>
    %slice3A_18 = vector.extract_strided_slice %get3A_3 {offsets = [0, 2], sizes = [1024, 1], strides = [1, 1]} : vector<1024x3xf32> to vector<1024x1xf32>
    %slice3A_19 = vector.extract_strided_slice %get3A_8 {offsets = [2, 0], sizes = [1, 2048], strides = [1, 1]} : vector<3x2048xf32> to vector<1x2048xf32>
    %sub3A_20 = vector.broadcast %slice3A_18 : vector<1024x1xf32> to vector<1024x2048xf32>
    %sub3A_21 = vector.broadcast %slice3A_19 : vector<1x2048xf32> to vector<1024x2048xf32>
    %sub3A_22 = arith.subf %sub3A_20, %sub3A_21 : vector<1024x2048xf32>
    %mul3A_23 = arith.mulf %sub3A_22, %sub3A_22 : vector<1024x2048xf32>
    %add3A_24 = arith.addf %add3A, %mul3A_23 : vector<1024x2048xf32>
    %bitcast_convert_type3A = tpu.bitcast %add3A_24 : vector<1024x2048xf32> -> vector<1024x2048xi32>
    %slice3A_25 = vector.extract_strided_slice %bitcast_convert_type3A {offsets = [0, 0], sizes = [1024, 128], strides = [1, 1]} : vector<1024x2048xi32> to vector<1024x128xi32>
    %and3A = arith.constant -16 : i32
    %and3A_26 = vector.broadcast %and3A : i32 to vector<1024x128xi32>
    %and3A_27 = arith.andi %slice3A_25, %and3A_26 : vector<1024x128xi32>
    %or3A = arith.constant 0 : i32
    %or3A_28 = vector.broadcast %or3A : i32 to vector<1024x128xi32>
    %or3A_29 = arith.ori %and3A_27, %or3A_28 : vector<1024x128xi32>
    %bitcast_convert_type3A_30 = tpu.bitcast %or3A_29 : vector<1024x128xi32> -> vector<1024x128xf32>
    %slice3A_31 = vector.extract_strided_slice %bitcast_convert_type3A {offsets = [0, 128], sizes = [1024, 128], strides = [1, 1]} : vector<1024x2048xi32> to vector<1024x128xi32>
    %and3A_32 = arith.constant -16 : i32
    %and3A_33 = vector.broadcast %and3A_32 : i32 to vector<1024x128xi32>
    %and3A_34 = arith.andi %slice3A_31, %and3A_33 : vector<1024x128xi32>
    %or3A_35 = arith.constant 1 : i32
    %or3A_36 = vector.broadcast %or3A_35 : i32 to vector<1024x128xi32>
    %or3A_37 = arith.ori %and3A_34, %or3A_36 : vector<1024x128xi32>
    %bitcast_convert_type3A_38 = tpu.bitcast %or3A_37 : vector<1024x128xi32> -> vector<1024x128xf32>
    %slice3A_39 = vector.extract_strided_slice %bitcast_convert_type3A {offsets = [0, 256], sizes = [1024, 128], strides = [1, 1]} : vector<1024x2048xi32> to vector<1024x128xi32>
    %and3A_40 = arith.constant -16 : i32
    %and3A_41 = vector.broadcast %and3A_40 : i32 to vector<1024x128xi32>
    %and3A_42 = arith.andi %slice3A_39, %and3A_41 : vector<1024x128xi32>
    %or3A_43 = arith.constant 2 : i32
    %or3A_44 = vector.broadcast %or3A_43 : i32 to vector<1024x128xi32>
    %or3A_45 = arith.ori %and3A_42, %or3A_44 : vector<1024x128xi32>
    %bitcast_convert_type3A_46 = tpu.bitcast %or3A_45 : vector<1024x128xi32> -> vector<1024x128xf32>
    %slice3A_47 = vector.extract_strided_slice %bitcast_convert_type3A {offsets = [0, 384], sizes = [1024, 128], strides = [1, 1]} : vector<1024x2048xi32> to vector<1024x128xi32>
    %and3A_48 = arith.constant -16 : i32
    %and3A_49 = vector.broadcast %and3A_48 : i32 to vector<1024x128xi32>
    %and3A_50 = arith.andi %slice3A_47, %and3A_49 : vector<1024x128xi32>
    %or3A_51 = arith.constant 3 : i32
    %or3A_52 = vector.broadcast %or3A_51 : i32 to vector<1024x128xi32>
    %or3A_53 = arith.ori %and3A_50, %or3A_52 : vector<1024x128xi32>
    %bitcast_convert_type3A_54 = tpu.bitcast %or3A_53 : vector<1024x128xi32> -> vector<1024x128xf32>
    %slice3A_55 = vector.extract_strided_slice %bitcast_convert_type3A {offsets = [0, 512], sizes = [1024, 128], strides = [1, 1]} : vector<1024x2048xi32> to vector<1024x128xi32>
    %and3A_56 = arith.constant -16 : i32
    %and3A_57 = vector.broadcast %and3A_56 : i32 to vector<1024x128xi32>
    %and3A_58 = arith.andi %slice3A_55, %and3A_57 : vector<1024x128xi32>
    %or3A_59 = arith.constant 4 : i32
    %or3A_60 = vector.broadcast %or3A_59 : i32 to vector<1024x128xi32>
    %or3A_61 = arith.ori %and3A_58, %or3A_60 : vector<1024x128xi32>
    %bitcast_convert_type3A_62 = tpu.bitcast %or3A_61 : vector<1024x128xi32> -> vector<1024x128xf32>
    %slice3A_63 = vector.extract_strided_slice %bitcast_convert_type3A {offsets = [0, 640], sizes = [1024, 128], strides = [1, 1]} : vector<1024x2048xi32> to vector<1024x128xi32>
    %and3A_64 = arith.constant -16 : i32
    %and3A_65 = vector.broadcast %and3A_64 : i32 to vector<1024x128xi32>
    %and3A_66 = arith.andi %slice3A_63, %and3A_65 : vector<1024x128xi32>
    %or3A_67 = arith.constant 5 : i32
    %or3A_68 = vector.broadcast %or3A_67 : i32 to vector<1024x128xi32>
    %or3A_69 = arith.ori %and3A_66, %or3A_68 : vector<1024x128xi32>
    %bitcast_convert_type3A_70 = tpu.bitcast %or3A_69 : vector<1024x128xi32> -> vector<1024x128xf32>
    %slice3A_71 = vector.extract_strided_slice %bitcast_convert_type3A {offsets = [0, 768], sizes = [1024, 128], strides = [1, 1]} : vector<1024x2048xi32> to vector<1024x128xi32>
    %and3A_72 = arith.constant -16 : i32
    %and3A_73 = vector.broadcast %and3A_72 : i32 to vector<1024x128xi32>
    %and3A_74 = arith.andi %slice3A_71, %and3A_73 : vector<1024x128xi32>
    %or3A_75 = arith.constant 6 : i32
    %or3A_76 = vector.broadcast %or3A_75 : i32 to vector<1024x128xi32>
    %or3A_77 = arith.ori %and3A_74, %or3A_76 : vector<1024x128xi32>
    %bitcast_convert_type3A_78 = tpu.bitcast %or3A_77 : vector<1024x128xi32> -> vector<1024x128xf32>
    %slice3A_79 = vector.extract_strided_slice %bitcast_convert_type3A {offsets = [0, 896], sizes = [1024, 128], strides = [1, 1]} : vector<1024x2048xi32> to vector<1024x128xi32>
    %and3A_80 = arith.constant -16 : i32
    %and3A_81 = vector.broadcast %and3A_80 : i32 to vector<1024x128xi32>
    %and3A_82 = arith.andi %slice3A_79, %and3A_81 : vector<1024x128xi32>
    %or3A_83 = arith.constant 7 : i32
    %or3A_84 = vector.broadcast %or3A_83 : i32 to vector<1024x128xi32>
    %or3A_85 = arith.ori %and3A_82, %or3A_84 : vector<1024x128xi32>
    %bitcast_convert_type3A_86 = tpu.bitcast %or3A_85 : vector<1024x128xi32> -> vector<1024x128xf32>
    %slice3A_87 = vector.extract_strided_slice %bitcast_convert_type3A {offsets = [0, 1024], sizes = [1024, 128], strides = [1, 1]} : vector<1024x2048xi32> to vector<1024x128xi32>
    %and3A_88 = arith.constant -16 : i32
    %and3A_89 = vector.broadcast %and3A_88 : i32 to vector<1024x128xi32>
    %and3A_90 = arith.andi %slice3A_87, %and3A_89 : vector<1024x128xi32>
    %or3A_91 = arith.constant 8 : i32
    %or3A_92 = vector.broadcast %or3A_91 : i32 to vector<1024x128xi32>
    %or3A_93 = arith.ori %and3A_90, %or3A_92 : vector<1024x128xi32>
    %bitcast_convert_type3A_94 = tpu.bitcast %or3A_93 : vector<1024x128xi32> -> vector<1024x128xf32>
    %slice3A_95 = vector.extract_strided_slice %bitcast_convert_type3A {offsets = [0, 1152], sizes = [1024, 128], strides = [1, 1]} : vector<1024x2048xi32> to vector<1024x128xi32>
    %and3A_96 = arith.constant -16 : i32
    %and3A_97 = vector.broadcast %and3A_96 : i32 to vector<1024x128xi32>
    %and3A_98 = arith.andi %slice3A_95, %and3A_97 : vector<1024x128xi32>
    %or3A_99 = arith.constant 9 : i32
    %or3A_100 = vector.broadcast %or3A_99 : i32 to vector<1024x128xi32>
    %or3A_101 = arith.ori %and3A_98, %or3A_100 : vector<1024x128xi32>
    %bitcast_convert_type3A_102 = tpu.bitcast %or3A_101 : vector<1024x128xi32> -> vector<1024x128xf32>
    %slice3A_103 = vector.extract_strided_slice %bitcast_convert_type3A {offsets = [0, 1280], sizes = [1024, 128], strides = [1, 1]} : vector<1024x2048xi32> to vector<1024x128xi32>
    %and3A_104 = arith.constant -16 : i32
    %and3A_105 = vector.broadcast %and3A_104 : i32 to vector<1024x128xi32>
    %and3A_106 = arith.andi %slice3A_103, %and3A_105 : vector<1024x128xi32>
    %or3A_107 = arith.constant 10 : i32
    %or3A_108 = vector.broadcast %or3A_107 : i32 to vector<1024x128xi32>
    %or3A_109 = arith.ori %and3A_106, %or3A_108 : vector<1024x128xi32>
    %bitcast_convert_type3A_110 = tpu.bitcast %or3A_109 : vector<1024x128xi32> -> vector<1024x128xf32>
    %slice3A_111 = vector.extract_strided_slice %bitcast_convert_type3A {offsets = [0, 1408], sizes = [1024, 128], strides = [1, 1]} : vector<1024x2048xi32> to vector<1024x128xi32>
    %and3A_112 = arith.constant -16 : i32
    %and3A_113 = vector.broadcast %and3A_112 : i32 to vector<1024x128xi32>
    %and3A_114 = arith.andi %slice3A_111, %and3A_113 : vector<1024x128xi32>
    %or3A_115 = arith.constant 11 : i32
    %or3A_116 = vector.broadcast %or3A_115 : i32 to vector<1024x128xi32>
    %or3A_117 = arith.ori %and3A_114, %or3A_116 : vector<1024x128xi32>
    %bitcast_convert_type3A_118 = tpu.bitcast %or3A_117 : vector<1024x128xi32> -> vector<1024x128xf32>
    %slice3A_119 = vector.extract_strided_slice %bitcast_convert_type3A {offsets = [0, 1536], sizes = [1024, 128], strides = [1, 1]} : vector<1024x2048xi32> to vector<1024x128xi32>
    %and3A_120 = arith.constant -16 : i32
    %and3A_121 = vector.broadcast %and3A_120 : i32 to vector<1024x128xi32>
    %and3A_122 = arith.andi %slice3A_119, %and3A_121 : vector<1024x128xi32>
    %or3A_123 = arith.constant 12 : i32
    %or3A_124 = vector.broadcast %or3A_123 : i32 to vector<1024x128xi32>
    %or3A_125 = arith.ori %and3A_122, %or3A_124 : vector<1024x128xi32>
    %bitcast_convert_type3A_126 = tpu.bitcast %or3A_125 : vector<1024x128xi32> -> vector<1024x128xf32>
    %slice3A_127 = vector.extract_strided_slice %bitcast_convert_type3A {offsets = [0, 1664], sizes = [1024, 128], strides = [1, 1]} : vector<1024x2048xi32> to vector<1024x128xi32>
    %and3A_128 = arith.constant -16 : i32
    %and3A_129 = vector.broadcast %and3A_128 : i32 to vector<1024x128xi32>
    %and3A_130 = arith.andi %slice3A_127, %and3A_129 : vector<1024x128xi32>
    %or3A_131 = arith.constant 13 : i32
    %or3A_132 = vector.broadcast %or3A_131 : i32 to vector<1024x128xi32>
    %or3A_133 = arith.ori %and3A_130, %or3A_132 : vector<1024x128xi32>
    %bitcast_convert_type3A_134 = tpu.bitcast %or3A_133 : vector<1024x128xi32> -> vector<1024x128xf32>
    %slice3A_135 = vector.extract_strided_slice %bitcast_convert_type3A {offsets = [0, 1792], sizes = [1024, 128], strides = [1, 1]} : vector<1024x2048xi32> to vector<1024x128xi32>
    %and3A_136 = arith.constant -16 : i32
    %and3A_137 = vector.broadcast %and3A_136 : i32 to vector<1024x128xi32>
    %and3A_138 = arith.andi %slice3A_135, %and3A_137 : vector<1024x128xi32>
    %or3A_139 = arith.constant 14 : i32
    %or3A_140 = vector.broadcast %or3A_139 : i32 to vector<1024x128xi32>
    %or3A_141 = arith.ori %and3A_138, %or3A_140 : vector<1024x128xi32>
    %bitcast_convert_type3A_142 = tpu.bitcast %or3A_141 : vector<1024x128xi32> -> vector<1024x128xf32>
    %slice3A_143 = vector.extract_strided_slice %bitcast_convert_type3A {offsets = [0, 1920], sizes = [1024, 128], strides = [1, 1]} : vector<1024x2048xi32> to vector<1024x128xi32>
    %and3A_144 = arith.constant -16 : i32
    %and3A_145 = vector.broadcast %and3A_144 : i32 to vector<1024x128xi32>
    %and3A_146 = arith.andi %slice3A_143, %and3A_145 : vector<1024x128xi32>
    %or3A_147 = arith.constant 15 : i32
    %or3A_148 = vector.broadcast %or3A_147 : i32 to vector<1024x128xi32>
    %or3A_149 = arith.ori %and3A_146, %or3A_148 : vector<1024x128xi32>
    %bitcast_convert_type3A_150 = tpu.bitcast %or3A_149 : vector<1024x128xi32> -> vector<1024x128xf32>
    %iota3A = tpu.iota {dimensions = array<i32: 1>} : vector<1024x128xi32>
    %convert_element_type3A = arith.sitofp %iota3A : vector<1024x128xi32> to vector<1024x128xf32>
    %broadcast_in_dim3A = arith.constant 0x7F800000 : f32
    %broadcast_in_dim3A_151 = vector.broadcast %broadcast_in_dim3A : f32 to vector<1024x128xf32>
    %broadcast_in_dim3A_152 = arith.constant 0x7F800000 : f32
    %broadcast_in_dim3A_153 = vector.broadcast %broadcast_in_dim3A_152 : f32 to vector<1024x128xf32>
    %broadcast_in_dim3A_154 = arith.constant 0x7F800000 : f32
    %broadcast_in_dim3A_155 = vector.broadcast %broadcast_in_dim3A_154 : f32 to vector<1024x128xf32>
    %broadcast_in_dim3A_156 = arith.constant 0x7F800000 : f32
    %broadcast_in_dim3A_157 = vector.broadcast %broadcast_in_dim3A_156 : f32 to vector<1024x128xf32>
    %broadcast_in_dim3A_158 = arith.constant 0x7F800000 : f32
    %broadcast_in_dim3A_159 = vector.broadcast %broadcast_in_dim3A_158 : f32 to vector<1024x128xf32>
    %broadcast_in_dim3A_160 = arith.constant 0x7F800000 : f32
    %broadcast_in_dim3A_161 = vector.broadcast %broadcast_in_dim3A_160 : f32 to vector<1024x128xf32>
    %min3A = arith.minimumf %broadcast_in_dim3A_151, %bitcast_convert_type3A_30 : vector<1024x128xf32>
    %max3A = arith.maximumf %broadcast_in_dim3A_151, %bitcast_convert_type3A_30 : vector<1024x128xf32>
    %min3A_162 = arith.minimumf %broadcast_in_dim3A_153, %max3A : vector<1024x128xf32>
    %max3A_163 = arith.maximumf %broadcast_in_dim3A_153, %max3A : vector<1024x128xf32>
    %min3A_164 = arith.minimumf %broadcast_in_dim3A_155, %max3A_163 : vector<1024x128xf32>
    %max3A_165 = arith.maximumf %broadcast_in_dim3A_155, %max3A_163 : vector<1024x128xf32>
    %min3A_166 = arith.minimumf %broadcast_in_dim3A_157, %max3A_165 : vector<1024x128xf32>
    %max3A_167 = arith.maximumf %broadcast_in_dim3A_157, %max3A_165 : vector<1024x128xf32>
    %min3A_168 = arith.minimumf %broadcast_in_dim3A_159, %max3A_167 : vector<1024x128xf32>
    %max3A_169 = arith.maximumf %broadcast_in_dim3A_159, %max3A_167 : vector<1024x128xf32>
    %min3A_170 = arith.minimumf %broadcast_in_dim3A_161, %max3A_169 : vector<1024x128xf32>
    %min3A_171 = arith.minimumf %min3A, %bitcast_convert_type3A_38 : vector<1024x128xf32>
    %max3A_172 = arith.maximumf %min3A, %bitcast_convert_type3A_38 : vector<1024x128xf32>
    %min3A_173 = arith.minimumf %min3A_162, %max3A_172 : vector<1024x128xf32>
    %max3A_174 = arith.maximumf %min3A_162, %max3A_172 : vector<1024x128xf32>
    %min3A_175 = arith.minimumf %min3A_164, %max3A_174 : vector<1024x128xf32>
    %max3A_176 = arith.maximumf %min3A_164, %max3A_174 : vector<1024x128xf32>
    %min3A_177 = arith.minimumf %min3A_166, %max3A_176 : vector<1024x128xf32>
    %max3A_178 = arith.maximumf %min3A_166, %max3A_176 : vector<1024x128xf32>
    %min3A_179 = arith.minimumf %min3A_168, %max3A_178 : vector<1024x128xf32>
    %max3A_180 = arith.maximumf %min3A_168, %max3A_178 : vector<1024x128xf32>
    %min3A_181 = arith.minimumf %min3A_170, %max3A_180 : vector<1024x128xf32>
    %min3A_182 = arith.minimumf %min3A_171, %bitcast_convert_type3A_46 : vector<1024x128xf32>
    %max3A_183 = arith.maximumf %min3A_171, %bitcast_convert_type3A_46 : vector<1024x128xf32>
    %min3A_184 = arith.minimumf %min3A_173, %max3A_183 : vector<1024x128xf32>
    %max3A_185 = arith.maximumf %min3A_173, %max3A_183 : vector<1024x128xf32>
    %min3A_186 = arith.minimumf %min3A_175, %max3A_185 : vector<1024x128xf32>
    %max3A_187 = arith.maximumf %min3A_175, %max3A_185 : vector<1024x128xf32>
    %min3A_188 = arith.minimumf %min3A_177, %max3A_187 : vector<1024x128xf32>
    %max3A_189 = arith.maximumf %min3A_177, %max3A_187 : vector<1024x128xf32>
    %min3A_190 = arith.minimumf %min3A_179, %max3A_189 : vector<1024x128xf32>
    %max3A_191 = arith.maximumf %min3A_179, %max3A_189 : vector<1024x128xf32>
    %min3A_192 = arith.minimumf %min3A_181, %max3A_191 : vector<1024x128xf32>
    %min3A_193 = arith.minimumf %min3A_182, %bitcast_convert_type3A_54 : vector<1024x128xf32>
    %max3A_194 = arith.maximumf %min3A_182, %bitcast_convert_type3A_54 : vector<1024x128xf32>
    %min3A_195 = arith.minimumf %min3A_184, %max3A_194 : vector<1024x128xf32>
    %max3A_196 = arith.maximumf %min3A_184, %max3A_194 : vector<1024x128xf32>
    %min3A_197 = arith.minimumf %min3A_186, %max3A_196 : vector<1024x128xf32>
    %max3A_198 = arith.maximumf %min3A_186, %max3A_196 : vector<1024x128xf32>
    %min3A_199 = arith.minimumf %min3A_188, %max3A_198 : vector<1024x128xf32>
    %max3A_200 = arith.maximumf %min3A_188, %max3A_198 : vector<1024x128xf32>
    %min3A_201 = arith.minimumf %min3A_190, %max3A_200 : vector<1024x128xf32>
    %max3A_202 = arith.maximumf %min3A_190, %max3A_200 : vector<1024x128xf32>
    %min3A_203 = arith.minimumf %min3A_192, %max3A_202 : vector<1024x128xf32>
    %min3A_204 = arith.minimumf %min3A_193, %bitcast_convert_type3A_62 : vector<1024x128xf32>
    %max3A_205 = arith.maximumf %min3A_193, %bitcast_convert_type3A_62 : vector<1024x128xf32>
    %min3A_206 = arith.minimumf %min3A_195, %max3A_205 : vector<1024x128xf32>
    %max3A_207 = arith.maximumf %min3A_195, %max3A_205 : vector<1024x128xf32>
    %min3A_208 = arith.minimumf %min3A_197, %max3A_207 : vector<1024x128xf32>
    %max3A_209 = arith.maximumf %min3A_197, %max3A_207 : vector<1024x128xf32>
    %min3A_210 = arith.minimumf %min3A_199, %max3A_209 : vector<1024x128xf32>
    %max3A_211 = arith.maximumf %min3A_199, %max3A_209 : vector<1024x128xf32>
    %min3A_212 = arith.minimumf %min3A_201, %max3A_211 : vector<1024x128xf32>
    %max3A_213 = arith.maximumf %min3A_201, %max3A_211 : vector<1024x128xf32>
    %min3A_214 = arith.minimumf %min3A_203, %max3A_213 : vector<1024x128xf32>
    %min3A_215 = arith.minimumf %min3A_204, %bitcast_convert_type3A_70 : vector<1024x128xf32>
    %max3A_216 = arith.maximumf %min3A_204, %bitcast_convert_type3A_70 : vector<1024x128xf32>
    %min3A_217 = arith.minimumf %min3A_206, %max3A_216 : vector<1024x128xf32>
    %max3A_218 = arith.maximumf %min3A_206, %max3A_216 : vector<1024x128xf32>
    %min3A_219 = arith.minimumf %min3A_208, %max3A_218 : vector<1024x128xf32>
    %max3A_220 = arith.maximumf %min3A_208, %max3A_218 : vector<1024x128xf32>
    %min3A_221 = arith.minimumf %min3A_210, %max3A_220 : vector<1024x128xf32>
    %max3A_222 = arith.maximumf %min3A_210, %max3A_220 : vector<1024x128xf32>
    %min3A_223 = arith.minimumf %min3A_212, %max3A_222 : vector<1024x128xf32>
    %max3A_224 = arith.maximumf %min3A_212, %max3A_222 : vector<1024x128xf32>
    %min3A_225 = arith.minimumf %min3A_214, %max3A_224 : vector<1024x128xf32>
    %min3A_226 = arith.minimumf %min3A_215, %bitcast_convert_type3A_78 : vector<1024x128xf32>
    %max3A_227 = arith.maximumf %min3A_215, %bitcast_convert_type3A_78 : vector<1024x128xf32>
    %min3A_228 = arith.minimumf %min3A_217, %max3A_227 : vector<1024x128xf32>
    %max3A_229 = arith.maximumf %min3A_217, %max3A_227 : vector<1024x128xf32>
    %min3A_230 = arith.minimumf %min3A_219, %max3A_229 : vector<1024x128xf32>
    %max3A_231 = arith.maximumf %min3A_219, %max3A_229 : vector<1024x128xf32>
    %min3A_232 = arith.minimumf %min3A_221, %max3A_231 : vector<1024x128xf32>
    %max3A_233 = arith.maximumf %min3A_221, %max3A_231 : vector<1024x128xf32>
    %min3A_234 = arith.minimumf %min3A_223, %max3A_233 : vector<1024x128xf32>
    %max3A_235 = arith.maximumf %min3A_223, %max3A_233 : vector<1024x128xf32>
    %min3A_236 = arith.minimumf %min3A_225, %max3A_235 : vector<1024x128xf32>
    %min3A_237 = arith.minimumf %min3A_226, %bitcast_convert_type3A_86 : vector<1024x128xf32>
    %max3A_238 = arith.maximumf %min3A_226, %bitcast_convert_type3A_86 : vector<1024x128xf32>
    %min3A_239 = arith.minimumf %min3A_228, %max3A_238 : vector<1024x128xf32>
    %max3A_240 = arith.maximumf %min3A_228, %max3A_238 : vector<1024x128xf32>
    %min3A_241 = arith.minimumf %min3A_230, %max3A_240 : vector<1024x128xf32>
    %max3A_242 = arith.maximumf %min3A_230, %max3A_240 : vector<1024x128xf32>
    %min3A_243 = arith.minimumf %min3A_232, %max3A_242 : vector<1024x128xf32>
    %max3A_244 = arith.maximumf %min3A_232, %max3A_242 : vector<1024x128xf32>
    %min3A_245 = arith.minimumf %min3A_234, %max3A_244 : vector<1024x128xf32>
    %max3A_246 = arith.maximumf %min3A_234, %max3A_244 : vector<1024x128xf32>
    %min3A_247 = arith.minimumf %min3A_236, %max3A_246 : vector<1024x128xf32>
    %min3A_248 = arith.minimumf %min3A_237, %bitcast_convert_type3A_94 : vector<1024x128xf32>
    %max3A_249 = arith.maximumf %min3A_237, %bitcast_convert_type3A_94 : vector<1024x128xf32>
    %min3A_250 = arith.minimumf %min3A_239, %max3A_249 : vector<1024x128xf32>
    %max3A_251 = arith.maximumf %min3A_239, %max3A_249 : vector<1024x128xf32>
    %min3A_252 = arith.minimumf %min3A_241, %max3A_251 : vector<1024x128xf32>
    %max3A_253 = arith.maximumf %min3A_241, %max3A_251 : vector<1024x128xf32>
    %min3A_254 = arith.minimumf %min3A_243, %max3A_253 : vector<1024x128xf32>
    %max3A_255 = arith.maximumf %min3A_243, %max3A_253 : vector<1024x128xf32>
    %min3A_256 = arith.minimumf %min3A_245, %max3A_255 : vector<1024x128xf32>
    %max3A_257 = arith.maximumf %min3A_245, %max3A_255 : vector<1024x128xf32>
    %min3A_258 = arith.minimumf %min3A_247, %max3A_257 : vector<1024x128xf32>
    %min3A_259 = arith.minimumf %min3A_248, %bitcast_convert_type3A_102 : vector<1024x128xf32>
    %max3A_260 = arith.maximumf %min3A_248, %bitcast_convert_type3A_102 : vector<1024x128xf32>
    %min3A_261 = arith.minimumf %min3A_250, %max3A_260 : vector<1024x128xf32>
    %max3A_262 = arith.maximumf %min3A_250, %max3A_260 : vector<1024x128xf32>
    %min3A_263 = arith.minimumf %min3A_252, %max3A_262 : vector<1024x128xf32>
    %max3A_264 = arith.maximumf %min3A_252, %max3A_262 : vector<1024x128xf32>
    %min3A_265 = arith.minimumf %min3A_254, %max3A_264 : vector<1024x128xf32>
    %max3A_266 = arith.maximumf %min3A_254, %max3A_264 : vector<1024x128xf32>
    %min3A_267 = arith.minimumf %min3A_256, %max3A_266 : vector<1024x128xf32>
    %max3A_268 = arith.maximumf %min3A_256, %max3A_266 : vector<1024x128xf32>
    %min3A_269 = arith.minimumf %min3A_258, %max3A_268 : vector<1024x128xf32>
    %min3A_270 = arith.minimumf %min3A_259, %bitcast_convert_type3A_110 : vector<1024x128xf32>
    %max3A_271 = arith.maximumf %min3A_259, %bitcast_convert_type3A_110 : vector<1024x128xf32>
    %min3A_272 = arith.minimumf %min3A_261, %max3A_271 : vector<1024x128xf32>
    %max3A_273 = arith.maximumf %min3A_261, %max3A_271 : vector<1024x128xf32>
    %min3A_274 = arith.minimumf %min3A_263, %max3A_273 : vector<1024x128xf32>
    %max3A_275 = arith.maximumf %min3A_263, %max3A_273 : vector<1024x128xf32>
    %min3A_276 = arith.minimumf %min3A_265, %max3A_275 : vector<1024x128xf32>
    %max3A_277 = arith.maximumf %min3A_265, %max3A_275 : vector<1024x128xf32>
    %min3A_278 = arith.minimumf %min3A_267, %max3A_277 : vector<1024x128xf32>
    %max3A_279 = arith.maximumf %min3A_267, %max3A_277 : vector<1024x128xf32>
    %min3A_280 = arith.minimumf %min3A_269, %max3A_279 : vector<1024x128xf32>
    %min3A_281 = arith.minimumf %min3A_270, %bitcast_convert_type3A_118 : vector<1024x128xf32>
    %max3A_282 = arith.maximumf %min3A_270, %bitcast_convert_type3A_118 : vector<1024x128xf32>
    %min3A_283 = arith.minimumf %min3A_272, %max3A_282 : vector<1024x128xf32>
    %max3A_284 = arith.maximumf %min3A_272, %max3A_282 : vector<1024x128xf32>
    %min3A_285 = arith.minimumf %min3A_274, %max3A_284 : vector<1024x128xf32>
    %max3A_286 = arith.maximumf %min3A_274, %max3A_284 : vector<1024x128xf32>
    %min3A_287 = arith.minimumf %min3A_276, %max3A_286 : vector<1024x128xf32>
    %max3A_288 = arith.maximumf %min3A_276, %max3A_286 : vector<1024x128xf32>
    %min3A_289 = arith.minimumf %min3A_278, %max3A_288 : vector<1024x128xf32>
    %max3A_290 = arith.maximumf %min3A_278, %max3A_288 : vector<1024x128xf32>
    %min3A_291 = arith.minimumf %min3A_280, %max3A_290 : vector<1024x128xf32>
    %min3A_292 = arith.minimumf %min3A_281, %bitcast_convert_type3A_126 : vector<1024x128xf32>
    %max3A_293 = arith.maximumf %min3A_281, %bitcast_convert_type3A_126 : vector<1024x128xf32>
    %min3A_294 = arith.minimumf %min3A_283, %max3A_293 : vector<1024x128xf32>
    %max3A_295 = arith.maximumf %min3A_283, %max3A_293 : vector<1024x128xf32>
    %min3A_296 = arith.minimumf %min3A_285, %max3A_295 : vector<1024x128xf32>
    %max3A_297 = arith.maximumf %min3A_285, %max3A_295 : vector<1024x128xf32>
    %min3A_298 = arith.minimumf %min3A_287, %max3A_297 : vector<1024x128xf32>
    %max3A_299 = arith.maximumf %min3A_287, %max3A_297 : vector<1024x128xf32>
    %min3A_300 = arith.minimumf %min3A_289, %max3A_299 : vector<1024x128xf32>
    %max3A_301 = arith.maximumf %min3A_289, %max3A_299 : vector<1024x128xf32>
    %min3A_302 = arith.minimumf %min3A_291, %max3A_301 : vector<1024x128xf32>
    %min3A_303 = arith.minimumf %min3A_292, %bitcast_convert_type3A_134 : vector<1024x128xf32>
    %max3A_304 = arith.maximumf %min3A_292, %bitcast_convert_type3A_134 : vector<1024x128xf32>
    %min3A_305 = arith.minimumf %min3A_294, %max3A_304 : vector<1024x128xf32>
    %max3A_306 = arith.maximumf %min3A_294, %max3A_304 : vector<1024x128xf32>
    %min3A_307 = arith.minimumf %min3A_296, %max3A_306 : vector<1024x128xf32>
    %max3A_308 = arith.maximumf %min3A_296, %max3A_306 : vector<1024x128xf32>
    %min3A_309 = arith.minimumf %min3A_298, %max3A_308 : vector<1024x128xf32>
    %max3A_310 = arith.maximumf %min3A_298, %max3A_308 : vector<1024x128xf32>
    %min3A_311 = arith.minimumf %min3A_300, %max3A_310 : vector<1024x128xf32>
    %max3A_312 = arith.maximumf %min3A_300, %max3A_310 : vector<1024x128xf32>
    %min3A_313 = arith.minimumf %min3A_302, %max3A_312 : vector<1024x128xf32>
    %min3A_314 = arith.minimumf %min3A_303, %bitcast_convert_type3A_142 : vector<1024x128xf32>
    %max3A_315 = arith.maximumf %min3A_303, %bitcast_convert_type3A_142 : vector<1024x128xf32>
    %min3A_316 = arith.minimumf %min3A_305, %max3A_315 : vector<1024x128xf32>
    %max3A_317 = arith.maximumf %min3A_305, %max3A_315 : vector<1024x128xf32>
    %min3A_318 = arith.minimumf %min3A_307, %max3A_317 : vector<1024x128xf32>
    %max3A_319 = arith.maximumf %min3A_307, %max3A_317 : vector<1024x128xf32>
    %min3A_320 = arith.minimumf %min3A_309, %max3A_319 : vector<1024x128xf32>
    %max3A_321 = arith.maximumf %min3A_309, %max3A_319 : vector<1024x128xf32>
    %min3A_322 = arith.minimumf %min3A_311, %max3A_321 : vector<1024x128xf32>
    %max3A_323 = arith.maximumf %min3A_311, %max3A_321 : vector<1024x128xf32>
    %min3A_324 = arith.minimumf %min3A_313, %max3A_323 : vector<1024x128xf32>
    %min3A_325 = arith.minimumf %min3A_314, %bitcast_convert_type3A_150 : vector<1024x128xf32>
    %max3A_326 = arith.maximumf %min3A_314, %bitcast_convert_type3A_150 : vector<1024x128xf32>
    %min3A_327 = arith.minimumf %min3A_316, %max3A_326 : vector<1024x128xf32>
    %max3A_328 = arith.maximumf %min3A_316, %max3A_326 : vector<1024x128xf32>
    %min3A_329 = arith.minimumf %min3A_318, %max3A_328 : vector<1024x128xf32>
    %max3A_330 = arith.maximumf %min3A_318, %max3A_328 : vector<1024x128xf32>
    %min3A_331 = arith.minimumf %min3A_320, %max3A_330 : vector<1024x128xf32>
    %max3A_332 = arith.maximumf %min3A_320, %max3A_330 : vector<1024x128xf32>
    %min3A_333 = arith.minimumf %min3A_322, %max3A_332 : vector<1024x128xf32>
    %max3A_334 = arith.maximumf %min3A_322, %max3A_332 : vector<1024x128xf32>
    %min3A_335 = arith.minimumf %min3A_324, %max3A_334 : vector<1024x128xf32>
    %reduce_min3A = arith.constant dense<0x7F800000> : vector<1024xf32>
    %reduce_min3A_336 = vector.multi_reduction <minimumf>, %min3A_325, %reduce_min3A [1] : vector<1024x128xf32> to vector<1024xf32>
    %broadcast_in_dim3A_337 = vector.shape_cast %reduce_min3A_336 : vector<1024xf32> to vector<1024x1xf32>
    %eq3A = vector.broadcast %broadcast_in_dim3A_337 : vector<1024x1xf32> to vector<1024x128xf32>
    %eq3A_338 = arith.cmpf oeq, %min3A_325, %eq3A : vector<1024x128xf32>
    %jit3A = arith.constant 1.280000e+02 : f32
    %broadcast_in_dim3A_339 = vector.broadcast %jit3A : f32 to vector<1024x128xf32>
    %select_n3A = arith.select %eq3A_338, %convert_element_type3A, %broadcast_in_dim3A_339 : vector<1024x128xi1>, vector<1024x128xf32>
    %reduce_min3A_340 = arith.constant dense<0x7F800000> : vector<1024xf32>
    %reduce_min3A_341 = vector.multi_reduction <minimumf>, %select_n3A, %reduce_min3A_340 [1] : vector<1024x128xf32> to vector<1024xf32>
    %broadcast_in_dim3A_342 = vector.shape_cast %reduce_min3A_341 : vector<1024xf32> to vector<1024x1xf32>
    %convert_element_type3A_343 = arith.fptosi %broadcast_in_dim3A_342 : vector<1024x1xf32> to vector<1024x1xi32>
    %bitcast_convert_type3A_344 = tpu.bitcast %broadcast_in_dim3A_337 : vector<1024x1xf32> -> vector<1024x1xi32>
    %and3A_345 = arith.constant 15 : i32
    %and3A_346 = vector.broadcast %and3A_345 : i32 to vector<1024x1xi32>
    %and3A_347 = arith.andi %bitcast_convert_type3A_344, %and3A_346 : vector<1024x1xi32>
    %mul3A_348 = arith.constant 128 : i32
    %mul3A_349 = vector.broadcast %mul3A_348 : i32 to vector<1024x1xi32>
    %mul3A_350 = arith.muli %and3A_347, %mul3A_349 : vector<1024x1xi32>
    %add3A_351 = arith.addi %mul3A_350, %convert_element_type3A_343 : vector<1024x1xi32>
    %swap3A = arith.constant 0 : index
    %swap3A_352 = arith.constant 0 : index
    %swap3A_353 = arith.constant 0 : index
    %swap3A_354 = vector.load %arg4[%swap3A, %swap3A_352, %swap3A_353] : memref<1x1024x11xi32, #tpu.memory_space<vmem>>, vector<1x1024x1xi32>
    %swap3A_355 = vector.shape_cast %swap3A_354 : vector<1x1024x1xi32> to vector<1024x1xi32>
    %swap3A_356 = vector.shape_cast %add3A_351 : vector<1024x1xi32> to vector<1x1024x1xi32>
    tpu.vector_store %arg4[%swap3A, %swap3A_352, %swap3A_353], %swap3A_356 {strides = array<i32>} : memref<1x1024x11xi32, #tpu.memory_space<vmem>>, vector<1x1024x1xi32>,
    %eq3A_357 = vector.broadcast %broadcast_in_dim3A_342 : vector<1024x1xf32> to vector<1024x128xf32>
    %eq3A_358 = arith.cmpf oeq, %convert_element_type3A, %eq3A_357 : vector<1024x128xf32>
    %select_n3A_359 = arith.select %eq3A_358, %min3A_327, %min3A_325 : vector<1024x128xi1>, vector<1024x128xf32>
    %select_n3A_360 = arith.select %eq3A_358, %min3A_329, %min3A_327 : vector<1024x128xi1>, vector<1024x128xf32>
    %select_n3A_361 = arith.select %eq3A_358, %min3A_331, %min3A_329 : vector<1024x128xi1>, vector<1024x128xf32>
    %select_n3A_362 = arith.select %eq3A_358, %min3A_333, %min3A_331 : vector<1024x128xi1>, vector<1024x128xf32>
    %select_n3A_363 = arith.select %eq3A_358, %min3A_335, %min3A_333 : vector<1024x128xi1>, vector<1024x128xf32>
    %jit3A_364 = arith.constant 0x7F800000 : f32
    %broadcast_in_dim3A_365 = vector.broadcast %jit3A_364 : f32 to vector<1024x128xf32>
    %select_n3A_366 = arith.select %eq3A_358, %broadcast_in_dim3A_365, %min3A_335 : vector<1024x128xi1>, vector<1024x128xf32>
    %reduce_min3A_367 = arith.constant dense<0x7F800000> : vector<1024xf32>
    %reduce_min3A_368 = vector.multi_reduction <minimumf>, %select_n3A_359, %reduce_min3A_367 [1] : vector<1024x128xf32> to vector<1024xf32>
    %broadcast_in_dim3A_369 = vector.shape_cast %reduce_min3A_368 : vector<1024xf32> to vector<1024x1xf32>
    %eq3A_370 = vector.broadcast %broadcast_in_dim3A_369 : vector<1024x1xf32> to vector<1024x128xf32>
    %eq3A_371 = arith.cmpf oeq, %select_n3A_359, %eq3A_370 : vector<1024x128xf32>
    %jit3A_372 = arith.constant 1.280000e+02 : f32
    %broadcast_in_dim3A_373 = vector.broadcast %jit3A_372 : f32 to vector<1024x128xf32>
    %select_n3A_374 = arith.select %eq3A_371, %convert_element_type3A, %broadcast_in_dim3A_373 : vector<1024x128xi1>, vector<1024x128xf32>
    %reduce_min3A_375 = arith.constant dense<0x7F800000> : vector<1024xf32>
    %reduce_min3A_376 = vector.multi_reduction <minimumf>, %select_n3A_374, %reduce_min3A_375 [1] : vector<1024x128xf32> to vector<1024xf32>
    %broadcast_in_dim3A_377 = vector.shape_cast %reduce_min3A_376 : vector<1024xf32> to vector<1024x1xf32>
    %convert_element_type3A_378 = arith.fptosi %broadcast_in_dim3A_377 : vector<1024x1xf32> to vector<1024x1xi32>
    %bitcast_convert_type3A_379 = tpu.bitcast %broadcast_in_dim3A_369 : vector<1024x1xf32> -> vector<1024x1xi32>
    %and3A_380 = arith.constant 15 : i32
    %and3A_381 = vector.broadcast %and3A_380 : i32 to vector<1024x1xi32>
    %and3A_382 = arith.andi %bitcast_convert_type3A_379, %and3A_381 : vector<1024x1xi32>
    %mul3A_383 = arith.constant 128 : i32
    %mul3A_384 = vector.broadcast %mul3A_383 : i32 to vector<1024x1xi32>
    %mul3A_385 = arith.muli %and3A_382, %mul3A_384 : vector<1024x1xi32>
    %add3A_386 = arith.addi %mul3A_385, %convert_element_type3A_378 : vector<1024x1xi32>
    %swap3A_387 = arith.constant 0 : index
    %swap3A_388 = arith.constant 0 : index
    %swap3A_389 = arith.constant 1 : index
    %swap3A_390 = vector.load %arg4[%swap3A_387, %swap3A_388, %swap3A_389] : memref<1x1024x11xi32, #tpu.memory_space<vmem>>, vector<1x1024x1xi32>
    %swap3A_391 = vector.shape_cast %swap3A_390 : vector<1x1024x1xi32> to vector<1024x1xi32>
    %swap3A_392 = vector.shape_cast %add3A_386 : vector<1024x1xi32> to vector<1x1024x1xi32>
    tpu.vector_store %arg4[%swap3A_387, %swap3A_388, %swap3A_389], %swap3A_392 {strides = array<i32>} : memref<1x1024x11xi32, #tpu.memory_space<vmem>>, vector<1x1024x1xi32>,
    %eq3A_393 = vector.broadcast %broadcast_in_dim3A_377 : vector<1024x1xf32> to vector<1024x128xf32>
    %eq3A_394 = arith.cmpf oeq, %convert_element_type3A, %eq3A_393 : vector<1024x128xf32>
    %select_n3A_395 = arith.select %eq3A_394, %select_n3A_360, %select_n3A_359 : vector<1024x128xi1>, vector<1024x128xf32>
    %select_n3A_396 = arith.select %eq3A_394, %select_n3A_361, %select_n3A_360 : vector<1024x128xi1>, vector<1024x128xf32>
    %select_n3A_397 = arith.select %eq3A_394, %select_n3A_362, %select_n3A_361 : vector<1024x128xi1>, vector<1024x128xf32>
    %select_n3A_398 = arith.select %eq3A_394, %select_n3A_363, %select_n3A_362 : vector<1024x128xi1>, vector<1024x128xf32>
    %select_n3A_399 = arith.select %eq3A_394, %select_n3A_366, %select_n3A_363 : vector<1024x128xi1>, vector<1024x128xf32>
    %jit3A_400 = arith.constant 0x7F800000 : f32
    %broadcast_in_dim3A_401 = vector.broadcast %jit3A_400 : f32 to vector<1024x128xf32>
    %select_n3A_402 = arith.select %eq3A_394, %broadcast_in_dim3A_401, %select_n3A_366 : vector<1024x128xi1>, vector<1024x128xf32>
    %reduce_min3A_403 = arith.constant dense<0x7F800000> : vector<1024xf32>
    %reduce_min3A_404 = vector.multi_reduction <minimumf>, %select_n3A_395, %reduce_min3A_403 [1] : vector<1024x128xf32> to vector<1024xf32>
    %broadcast_in_dim3A_405 = vector.shape_cast %reduce_min3A_404 : vector<1024xf32> to vector<1024x1xf32>
    %eq3A_406 = vector.broadcast %broadcast_in_dim3A_405 : vector<1024x1xf32> to vector<1024x128xf32>
    %eq3A_407 = arith.cmpf oeq, %select_n3A_395, %eq3A_406 : vector<1024x128xf32>
    %jit3A_408 = arith.constant 1.280000e+02 : f32
    %broadcast_in_dim3A_409 = vector.broadcast %jit3A_408 : f32 to vector<1024x128xf32>
    %select_n3A_410 = arith.select %eq3A_407, %convert_element_type3A, %broadcast_in_dim3A_409 : vector<1024x128xi1>, vector<1024x128xf32>
    %reduce_min3A_411 = arith.constant dense<0x7F800000> : vector<1024xf32>
    %reduce_min3A_412 = vector.multi_reduction <minimumf>, %select_n3A_410, %reduce_min3A_411 [1] : vector<1024x128xf32> to vector<1024xf32>
    %broadcast_in_dim3A_413 = vector.shape_cast %reduce_min3A_412 : vector<1024xf32> to vector<1024x1xf32>
    %convert_element_type3A_414 = arith.fptosi %broadcast_in_dim3A_413 : vector<1024x1xf32> to vector<1024x1xi32>
    %bitcast_convert_type3A_415 = tpu.bitcast %broadcast_in_dim3A_405 : vector<1024x1xf32> -> vector<1024x1xi32>
    %and3A_416 = arith.constant 15 : i32
    %and3A_417 = vector.broadcast %and3A_416 : i32 to vector<1024x1xi32>
    %and3A_418 = arith.andi %bitcast_convert_type3A_415, %and3A_417 : vector<1024x1xi32>
    %mul3A_419 = arith.constant 128 : i32
    %mul3A_420 = vector.broadcast %mul3A_419 : i32 to vector<1024x1xi32>
    %mul3A_421 = arith.muli %and3A_418, %mul3A_420 : vector<1024x1xi32>
    %add3A_422 = arith.addi %mul3A_421, %convert_element_type3A_414 : vector<1024x1xi32>
    %swap3A_423 = arith.constant 0 : index
    %swap3A_424 = arith.constant 0 : index
    %swap3A_425 = arith.constant 2 : index
    %swap3A_426 = vector.load %arg4[%swap3A_423, %swap3A_424, %swap3A_425] : memref<1x1024x11xi32, #tpu.memory_space<vmem>>, vector<1x1024x1xi32>
    %swap3A_427 = vector.shape_cast %swap3A_426 : vector<1x1024x1xi32> to vector<1024x1xi32>
    %swap3A_428 = vector.shape_cast %add3A_422 : vector<1024x1xi32> to vector<1x1024x1xi32>
    tpu.vector_store %arg4[%swap3A_423, %swap3A_424, %swap3A_425], %swap3A_428 {strides = array<i32>} : memref<1x1024x11xi32, #tpu.memory_space<vmem>>, vector<1x1024x1xi32>,
    %eq3A_429 = vector.broadcast %broadcast_in_dim3A_413 : vector<1024x1xf32> to vector<1024x128xf32>
    %eq3A_430 = arith.cmpf oeq, %convert_element_type3A, %eq3A_429 : vector<1024x128xf32>
    %select_n3A_431 = arith.select %eq3A_430, %select_n3A_396, %select_n3A_395 : vector<1024x128xi1>, vector<1024x128xf32>
    %select_n3A_432 = arith.select %eq3A_430, %select_n3A_397, %select_n3A_396 : vector<1024x128xi1>, vector<1024x128xf32>
    %select_n3A_433 = arith.select %eq3A_430, %select_n3A_398, %select_n3A_397 : vector<1024x128xi1>, vector<1024x128xf32>
    %select_n3A_434 = arith.select %eq3A_430, %select_n3A_399, %select_n3A_398 : vector<1024x128xi1>, vector<1024x128xf32>
    %select_n3A_435 = arith.select %eq3A_430, %select_n3A_402, %select_n3A_399 : vector<1024x128xi1>, vector<1024x128xf32>
    %jit3A_436 = arith.constant 0x7F800000 : f32
    %broadcast_in_dim3A_437 = vector.broadcast %jit3A_436 : f32 to vector<1024x128xf32>
    %select_n3A_438 = arith.select %eq3A_430, %broadcast_in_dim3A_437, %select_n3A_402 : vector<1024x128xi1>, vector<1024x128xf32>
    %reduce_min3A_439 = arith.constant dense<0x7F800000> : vector<1024xf32>
    %reduce_min3A_440 = vector.multi_reduction <minimumf>, %select_n3A_431, %reduce_min3A_439 [1] : vector<1024x128xf32> to vector<1024xf32>
    %broadcast_in_dim3A_441 = vector.shape_cast %reduce_min3A_440 : vector<1024xf32> to vector<1024x1xf32>
    %eq3A_442 = vector.broadcast %broadcast_in_dim3A_441 : vector<1024x1xf32> to vector<1024x128xf32>
    %eq3A_443 = arith.cmpf oeq, %select_n3A_431, %eq3A_442 : vector<1024x128xf32>
    %jit3A_444 = arith.constant 1.280000e+02 : f32
    %broadcast_in_dim3A_445 = vector.broadcast %jit3A_444 : f32 to vector<1024x128xf32>
    %select_n3A_446 = arith.select %eq3A_443, %convert_element_type3A, %broadcast_in_dim3A_445 : vector<1024x128xi1>, vector<1024x128xf32>
    %reduce_min3A_447 = arith.constant dense<0x7F800000> : vector<1024xf32>
    %reduce_min3A_448 = vector.multi_reduction <minimumf>, %select_n3A_446, %reduce_min3A_447 [1] : vector<1024x128xf32> to vector<1024xf32>
    %broadcast_in_dim3A_449 = vector.shape_cast %reduce_min3A_448 : vector<1024xf32> to vector<1024x1xf32>
    %convert_element_type3A_450 = arith.fptosi %broadcast_in_dim3A_449 : vector<1024x1xf32> to vector<1024x1xi32>
    %bitcast_convert_type3A_451 = tpu.bitcast %broadcast_in_dim3A_441 : vector<1024x1xf32> -> vector<1024x1xi32>
    %and3A_452 = arith.constant 15 : i32
    %and3A_453 = vector.broadcast %and3A_452 : i32 to vector<1024x1xi32>
    %and3A_454 = arith.andi %bitcast_convert_type3A_451, %and3A_453 : vector<1024x1xi32>
    %mul3A_455 = arith.constant 128 : i32
    %mul3A_456 = vector.broadcast %mul3A_455 : i32 to vector<1024x1xi32>
    %mul3A_457 = arith.muli %and3A_454, %mul3A_456 : vector<1024x1xi32>
    %add3A_458 = arith.addi %mul3A_457, %convert_element_type3A_450 : vector<1024x1xi32>
    %swap3A_459 = arith.constant 0 : index
    %swap3A_460 = arith.constant 0 : index
    %swap3A_461 = arith.constant 3 : index
    %swap3A_462 = vector.load %arg4[%swap3A_459, %swap3A_460, %swap3A_461] : memref<1x1024x11xi32, #tpu.memory_space<vmem>>, vector<1x1024x1xi32>
    %swap3A_463 = vector.shape_cast %swap3A_462 : vector<1x1024x1xi32> to vector<1024x1xi32>
    %swap3A_464 = vector.shape_cast %add3A_458 : vector<1024x1xi32> to vector<1x1024x1xi32>
    tpu.vector_store %arg4[%swap3A_459, %swap3A_460, %swap3A_461], %swap3A_464 {strides = array<i32>} : memref<1x1024x11xi32, #tpu.memory_space<vmem>>, vector<1x1024x1xi32>,
    %eq3A_465 = vector.broadcast %broadcast_in_dim3A_449 : vector<1024x1xf32> to vector<1024x128xf32>
    %eq3A_466 = arith.cmpf oeq, %convert_element_type3A, %eq3A_465 : vector<1024x128xf32>
    %select_n3A_467 = arith.select %eq3A_466, %select_n3A_432, %select_n3A_431 : vector<1024x128xi1>, vector<1024x128xf32>
    %select_n3A_468 = arith.select %eq3A_466, %select_n3A_433, %select_n3A_432 : vector<1024x128xi1>, vector<1024x128xf32>
    %select_n3A_469 = arith.select %eq3A_466, %select_n3A_434, %select_n3A_433 : vector<1024x128xi1>, vector<1024x128xf32>
    %select_n3A_470 = arith.select %eq3A_466, %select_n3A_435, %select_n3A_434 : vector<1024x128xi1>, vector<1024x128xf32>
    %select_n3A_471 = arith.select %eq3A_466, %select_n3A_438, %select_n3A_435 : vector<1024x128xi1>, vector<1024x128xf32>
    %jit3A_472 = arith.constant 0x7F800000 : f32
    %broadcast_in_dim3A_473 = vector.broadcast %jit3A_472 : f32 to vector<1024x128xf32>
    %select_n3A_474 = arith.select %eq3A_466, %broadcast_in_dim3A_473, %select_n3A_438 : vector<1024x128xi1>, vector<1024x128xf32>
    %reduce_min3A_475 = arith.constant dense<0x7F800000> : vector<1024xf32>
    %reduce_min3A_476 = vector.multi_reduction <minimumf>, %select_n3A_467, %reduce_min3A_475 [1] : vector<1024x128xf32> to vector<1024xf32>
    %broadcast_in_dim3A_477 = vector.shape_cast %reduce_min3A_476 : vector<1024xf32> to vector<1024x1xf32>
    %eq3A_478 = vector.broadcast %broadcast_in_dim3A_477 : vector<1024x1xf32> to vector<1024x128xf32>
    %eq3A_479 = arith.cmpf oeq, %select_n3A_467, %eq3A_478 : vector<1024x128xf32>
    %jit3A_480 = arith.constant 1.280000e+02 : f32
    %broadcast_in_dim3A_481 = vector.broadcast %jit3A_480 : f32 to vector<1024x128xf32>
    %select_n3A_482 = arith.select %eq3A_479, %convert_element_type3A, %broadcast_in_dim3A_481 : vector<1024x128xi1>, vector<1024x128xf32>
    %reduce_min3A_483 = arith.constant dense<0x7F800000> : vector<1024xf32>
    %reduce_min3A_484 = vector.multi_reduction <minimumf>, %select_n3A_482, %reduce_min3A_483 [1] : vector<1024x128xf32> to vector<1024xf32>
    %broadcast_in_dim3A_485 = vector.shape_cast %reduce_min3A_484 : vector<1024xf32> to vector<1024x1xf32>
    %convert_element_type3A_486 = arith.fptosi %broadcast_in_dim3A_485 : vector<1024x1xf32> to vector<1024x1xi32>
    %bitcast_convert_type3A_487 = tpu.bitcast %broadcast_in_dim3A_477 : vector<1024x1xf32> -> vector<1024x1xi32>
    %and3A_488 = arith.constant 15 : i32
    %and3A_489 = vector.broadcast %and3A_488 : i32 to vector<1024x1xi32>
    %and3A_490 = arith.andi %bitcast_convert_type3A_487, %and3A_489 : vector<1024x1xi32>
    %mul3A_491 = arith.constant 128 : i32
    %mul3A_492 = vector.broadcast %mul3A_491 : i32 to vector<1024x1xi32>
    %mul3A_493 = arith.muli %and3A_490, %mul3A_492 : vector<1024x1xi32>
    %add3A_494 = arith.addi %mul3A_493, %convert_element_type3A_486 : vector<1024x1xi32>
    %swap3A_495 = arith.constant 0 : index
    %swap3A_496 = arith.constant 0 : index
    %swap3A_497 = arith.constant 4 : index
    %swap3A_498 = vector.load %arg4[%swap3A_495, %swap3A_496, %swap3A_497] : memref<1x1024x11xi32, #tpu.memory_space<vmem>>, vector<1x1024x1xi32>
    %swap3A_499 = vector.shape_cast %swap3A_498 : vector<1x1024x1xi32> to vector<1024x1xi32>
    %swap3A_500 = vector.shape_cast %add3A_494 : vector<1024x1xi32> to vector<1x1024x1xi32>
    tpu.vector_store %arg4[%swap3A_495, %swap3A_496, %swap3A_497], %swap3A_500 {strides = array<i32>} : memref<1x1024x11xi32, #tpu.memory_space<vmem>>, vector<1x1024x1xi32>,
    %eq3A_501 = vector.broadcast %broadcast_in_dim3A_485 : vector<1024x1xf32> to vector<1024x128xf32>
    %eq3A_502 = arith.cmpf oeq, %convert_element_type3A, %eq3A_501 : vector<1024x128xf32>
    %select_n3A_503 = arith.select %eq3A_502, %select_n3A_468, %select_n3A_467 : vector<1024x128xi1>, vector<1024x128xf32>
    %select_n3A_504 = arith.select %eq3A_502, %select_n3A_469, %select_n3A_468 : vector<1024x128xi1>, vector<1024x128xf32>
    %select_n3A_505 = arith.select %eq3A_502, %select_n3A_470, %select_n3A_469 : vector<1024x128xi1>, vector<1024x128xf32>
    %select_n3A_506 = arith.select %eq3A_502, %select_n3A_471, %select_n3A_470 : vector<1024x128xi1>, vector<1024x128xf32>
    %select_n3A_507 = arith.select %eq3A_502, %select_n3A_474, %select_n3A_471 : vector<1024x128xi1>, vector<1024x128xf32>
    %jit3A_508 = arith.constant 0x7F800000 : f32
    %broadcast_in_dim3A_509 = vector.broadcast %jit3A_508 : f32 to vector<1024x128xf32>
    %select_n3A_510 = arith.select %eq3A_502, %broadcast_in_dim3A_509, %select_n3A_474 : vector<1024x128xi1>, vector<1024x128xf32>
    %reduce_min3A_511 = arith.constant dense<0x7F800000> : vector<1024xf32>
    %reduce_min3A_512 = vector.multi_reduction <minimumf>, %select_n3A_503, %reduce_min3A_511 [1] : vector<1024x128xf32> to vector<1024xf32>
    %broadcast_in_dim3A_513 = vector.shape_cast %reduce_min3A_512 : vector<1024xf32> to vector<1024x1xf32>
    %eq3A_514 = vector.broadcast %broadcast_in_dim3A_513 : vector<1024x1xf32> to vector<1024x128xf32>
    %eq3A_515 = arith.cmpf oeq, %select_n3A_503, %eq3A_514 : vector<1024x128xf32>
    %jit3A_516 = arith.constant 1.280000e+02 : f32
    %broadcast_in_dim3A_517 = vector.broadcast %jit3A_516 : f32 to vector<1024x128xf32>
    %select_n3A_518 = arith.select %eq3A_515, %convert_element_type3A, %broadcast_in_dim3A_517 : vector<1024x128xi1>, vector<1024x128xf32>
    %reduce_min3A_519 = arith.constant dense<0x7F800000> : vector<1024xf32>
    %reduce_min3A_520 = vector.multi_reduction <minimumf>, %select_n3A_518, %reduce_min3A_519 [1] : vector<1024x128xf32> to vector<1024xf32>
    %broadcast_in_dim3A_521 = vector.shape_cast %reduce_min3A_520 : vector<1024xf32> to vector<1024x1xf32>
    %convert_element_type3A_522 = arith.fptosi %broadcast_in_dim3A_521 : vector<1024x1xf32> to vector<1024x1xi32>
    %bitcast_convert_type3A_523 = tpu.bitcast %broadcast_in_dim3A_513 : vector<1024x1xf32> -> vector<1024x1xi32>
    %and3A_524 = arith.constant 15 : i32
    %and3A_525 = vector.broadcast %and3A_524 : i32 to vector<1024x1xi32>
    %and3A_526 = arith.andi %bitcast_convert_type3A_523, %and3A_525 : vector<1024x1xi32>
    %mul3A_527 = arith.constant 128 : i32
    %mul3A_528 = vector.broadcast %mul3A_527 : i32 to vector<1024x1xi32>
    %mul3A_529 = arith.muli %and3A_526, %mul3A_528 : vector<1024x1xi32>
    %add3A_530 = arith.addi %mul3A_529, %convert_element_type3A_522 : vector<1024x1xi32>
    %swap3A_531 = arith.constant 0 : index
    %swap3A_532 = arith.constant 0 : index
    %swap3A_533 = arith.constant 5 : index
    %swap3A_534 = vector.load %arg4[%swap3A_531, %swap3A_532, %swap3A_533] : memref<1x1024x11xi32, #tpu.memory_space<vmem>>, vector<1x1024x1xi32>
    %swap3A_535 = vector.shape_cast %swap3A_534 : vector<1x1024x1xi32> to vector<1024x1xi32>
    %swap3A_536 = vector.shape_cast %add3A_530 : vector<1024x1xi32> to vector<1x1024x1xi32>
    tpu.vector_store %arg4[%swap3A_531, %swap3A_532, %swap3A_533], %swap3A_536 {strides = array<i32>} : memref<1x1024x11xi32, #tpu.memory_space<vmem>>, vector<1x1024x1xi32>,
    %eq3A_537 = vector.broadcast %broadcast_in_dim3A_521 : vector<1024x1xf32> to vector<1024x128xf32>
    %eq3A_538 = arith.cmpf oeq, %convert_element_type3A, %eq3A_537 : vector<1024x128xf32>
    %select_n3A_539 = arith.select %eq3A_538, %select_n3A_504, %select_n3A_503 : vector<1024x128xi1>, vector<1024x128xf32>
    %select_n3A_540 = arith.select %eq3A_538, %select_n3A_505, %select_n3A_504 : vector<1024x128xi1>, vector<1024x128xf32>
    %select_n3A_541 = arith.select %eq3A_538, %select_n3A_506, %select_n3A_505 : vector<1024x128xi1>, vector<1024x128xf32>
    %select_n3A_542 = arith.select %eq3A_538, %select_n3A_507, %select_n3A_506 : vector<1024x128xi1>, vector<1024x128xf32>
    %select_n3A_543 = arith.select %eq3A_538, %select_n3A_510, %select_n3A_507 : vector<1024x128xi1>, vector<1024x128xf32>
    %reduce_min3A_544 = arith.constant dense<0x7F800000> : vector<1024xf32>
    %reduce_min3A_545 = vector.multi_reduction <minimumf>, %select_n3A_539, %reduce_min3A_544 [1] : vector<1024x128xf32> to vector<1024xf32>
    %broadcast_in_dim3A_546 = vector.shape_cast %reduce_min3A_545 : vector<1024xf32> to vector<1024x1xf32>
    %eq3A_547 = vector.broadcast %broadcast_in_dim3A_546 : vector<1024x1xf32> to vector<1024x128xf32>
    %eq3A_548 = arith.cmpf oeq, %select_n3A_539, %eq3A_547 : vector<1024x128xf32>
    %jit3A_549 = arith.constant 1.280000e+02 : f32
    %broadcast_in_dim3A_550 = vector.broadcast %jit3A_549 : f32 to vector<1024x128xf32>
    %select_n3A_551 = arith.select %eq3A_548, %convert_element_type3A, %broadcast_in_dim3A_550 : vector<1024x128xi1>, vector<1024x128xf32>
    %reduce_min3A_552 = arith.constant dense<0x7F800000> : vector<1024xf32>
    %reduce_min3A_553 = vector.multi_reduction <minimumf>, %select_n3A_551, %reduce_min3A_552 [1] : vector<1024x128xf32> to vector<1024xf32>
    %broadcast_in_dim3A_554 = vector.shape_cast %reduce_min3A_553 : vector<1024xf32> to vector<1024x1xf32>
    %convert_element_type3A_555 = arith.fptosi %broadcast_in_dim3A_554 : vector<1024x1xf32> to vector<1024x1xi32>
    %bitcast_convert_type3A_556 = tpu.bitcast %broadcast_in_dim3A_546 : vector<1024x1xf32> -> vector<1024x1xi32>
    %and3A_557 = arith.constant 15 : i32
    %and3A_558 = vector.broadcast %and3A_557 : i32 to vector<1024x1xi32>
    %and3A_559 = arith.andi %bitcast_convert_type3A_556, %and3A_558 : vector<1024x1xi32>
    %mul3A_560 = arith.constant 128 : i32
    %mul3A_561 = vector.broadcast %mul3A_560 : i32 to vector<1024x1xi32>
    %mul3A_562 = arith.muli %and3A_559, %mul3A_561 : vector<1024x1xi32>
    %add3A_563 = arith.addi %mul3A_562, %convert_element_type3A_555 : vector<1024x1xi32>
    %swap3A_564 = arith.constant 0 : index
    %swap3A_565 = arith.constant 0 : index
    %swap3A_566 = arith.constant 6 : index
    %swap3A_567 = vector.load %arg4[%swap3A_564, %swap3A_565, %swap3A_566] : memref<1x1024x11xi32, #tpu.memory_space<vmem>>, vector<1x1024x1xi32>
    %swap3A_568 = vector.shape_cast %swap3A_567 : vector<1x1024x1xi32> to vector<1024x1xi32>
    %swap3A_569 = vector.shape_cast %add3A_563 : vector<1024x1xi32> to vector<1x1024x1xi32>
    tpu.vector_store %arg4[%swap3A_564, %swap3A_565, %swap3A_566], %swap3A_569 {strides = array<i32>} : memref<1x1024x11xi32, #tpu.memory_space<vmem>>, vector<1x1024x1xi32>,
    %eq3A_570 = vector.broadcast %broadcast_in_dim3A_554 : vector<1024x1xf32> to vector<1024x128xf32>
    %eq3A_571 = arith.cmpf oeq, %convert_element_type3A, %eq3A_570 : vector<1024x128xf32>
    %select_n3A_572 = arith.select %eq3A_571, %select_n3A_540, %select_n3A_539 : vector<1024x128xi1>, vector<1024x128xf32>
    %select_n3A_573 = arith.select %eq3A_571, %select_n3A_541, %select_n3A_540 : vector<1024x128xi1>, vector<1024x128xf32>
    %select_n3A_574 = arith.select %eq3A_571, %select_n3A_542, %select_n3A_541 : vector<1024x128xi1>, vector<1024x128xf32>
    %select_n3A_575 = arith.select %eq3A_571, %select_n3A_543, %select_n3A_542 : vector<1024x128xi1>, vector<1024x128xf32>
    %reduce_min3A_576 = arith.constant dense<0x7F800000> : vector<1024xf32>
    %reduce_min3A_577 = vector.multi_reduction <minimumf>, %select_n3A_572, %reduce_min3A_576 [1] : vector<1024x128xf32> to vector<1024xf32>
    %broadcast_in_dim3A_578 = vector.shape_cast %reduce_min3A_577 : vector<1024xf32> to vector<1024x1xf32>
    %eq3A_579 = vector.broadcast %broadcast_in_dim3A_578 : vector<1024x1xf32> to vector<1024x128xf32>
    %eq3A_580 = arith.cmpf oeq, %select_n3A_572, %eq3A_579 : vector<1024x128xf32>
    %jit3A_581 = arith.constant 1.280000e+02 : f32
    %broadcast_in_dim3A_582 = vector.broadcast %jit3A_581 : f32 to vector<1024x128xf32>
    %select_n3A_583 = arith.select %eq3A_580, %convert_element_type3A, %broadcast_in_dim3A_582 : vector<1024x128xi1>, vector<1024x128xf32>
    %reduce_min3A_584 = arith.constant dense<0x7F800000> : vector<1024xf32>
    %reduce_min3A_585 = vector.multi_reduction <minimumf>, %select_n3A_583, %reduce_min3A_584 [1] : vector<1024x128xf32> to vector<1024xf32>
    %broadcast_in_dim3A_586 = vector.shape_cast %reduce_min3A_585 : vector<1024xf32> to vector<1024x1xf32>
    %convert_element_type3A_587 = arith.fptosi %broadcast_in_dim3A_586 : vector<1024x1xf32> to vector<1024x1xi32>
    %bitcast_convert_type3A_588 = tpu.bitcast %broadcast_in_dim3A_578 : vector<1024x1xf32> -> vector<1024x1xi32>
    %and3A_589 = arith.constant 15 : i32
    %and3A_590 = vector.broadcast %and3A_589 : i32 to vector<1024x1xi32>
    %and3A_591 = arith.andi %bitcast_convert_type3A_588, %and3A_590 : vector<1024x1xi32>
    %mul3A_592 = arith.constant 128 : i32
    %mul3A_593 = vector.broadcast %mul3A_592 : i32 to vector<1024x1xi32>
    %mul3A_594 = arith.muli %and3A_591, %mul3A_593 : vector<1024x1xi32>
    %add3A_595 = arith.addi %mul3A_594, %convert_element_type3A_587 : vector<1024x1xi32>
    %swap3A_596 = arith.constant 0 : index
    %swap3A_597 = arith.constant 0 : index
    %swap3A_598 = arith.constant 7 : index
    %swap3A_599 = vector.load %arg4[%swap3A_596, %swap3A_597, %swap3A_598] : memref<1x1024x11xi32, #tpu.memory_space<vmem>>, vector<1x1024x1xi32>
    %swap3A_600 = vector.shape_cast %swap3A_599 : vector<1x1024x1xi32> to vector<1024x1xi32>
    %swap3A_601 = vector.shape_cast %add3A_595 : vector<1024x1xi32> to vector<1x1024x1xi32>
    tpu.vector_store %arg4[%swap3A_596, %swap3A_597, %swap3A_598], %swap3A_601 {strides = array<i32>} : memref<1x1024x11xi32, #tpu.memory_space<vmem>>, vector<1x1024x1xi32>,
    %eq3A_602 = vector.broadcast %broadcast_in_dim3A_586 : vector<1024x1xf32> to vector<1024x128xf32>
    %eq3A_603 = arith.cmpf oeq, %convert_element_type3A, %eq3A_602 : vector<1024x128xf32>
    %select_n3A_604 = arith.select %eq3A_603, %select_n3A_573, %select_n3A_572 : vector<1024x128xi1>, vector<1024x128xf32>
    %select_n3A_605 = arith.select %eq3A_603, %select_n3A_574, %select_n3A_573 : vector<1024x128xi1>, vector<1024x128xf32>
    %select_n3A_606 = arith.select %eq3A_603, %select_n3A_575, %select_n3A_574 : vector<1024x128xi1>, vector<1024x128xf32>
    %reduce_min3A_607 = arith.constant dense<0x7F800000> : vector<1024xf32>
    %reduce_min3A_608 = vector.multi_reduction <minimumf>, %select_n3A_604, %reduce_min3A_607 [1] : vector<1024x128xf32> to vector<1024xf32>
    %broadcast_in_dim3A_609 = vector.shape_cast %reduce_min3A_608 : vector<1024xf32> to vector<1024x1xf32>
    %eq3A_610 = vector.broadcast %broadcast_in_dim3A_609 : vector<1024x1xf32> to vector<1024x128xf32>
    %eq3A_611 = arith.cmpf oeq, %select_n3A_604, %eq3A_610 : vector<1024x128xf32>
    %jit3A_612 = arith.constant 1.280000e+02 : f32
    %broadcast_in_dim3A_613 = vector.broadcast %jit3A_612 : f32 to vector<1024x128xf32>
    %select_n3A_614 = arith.select %eq3A_611, %convert_element_type3A, %broadcast_in_dim3A_613 : vector<1024x128xi1>, vector<1024x128xf32>
    %reduce_min3A_615 = arith.constant dense<0x7F800000> : vector<1024xf32>
    %reduce_min3A_616 = vector.multi_reduction <minimumf>, %select_n3A_614, %reduce_min3A_615 [1] : vector<1024x128xf32> to vector<1024xf32>
    %broadcast_in_dim3A_617 = vector.shape_cast %reduce_min3A_616 : vector<1024xf32> to vector<1024x1xf32>
    %convert_element_type3A_618 = arith.fptosi %broadcast_in_dim3A_617 : vector<1024x1xf32> to vector<1024x1xi32>
    %bitcast_convert_type3A_619 = tpu.bitcast %broadcast_in_dim3A_609 : vector<1024x1xf32> -> vector<1024x1xi32>
    %and3A_620 = arith.constant 15 : i32
    %and3A_621 = vector.broadcast %and3A_620 : i32 to vector<1024x1xi32>
    %and3A_622 = arith.andi %bitcast_convert_type3A_619, %and3A_621 : vector<1024x1xi32>
    %mul3A_623 = arith.constant 128 : i32
    %mul3A_624 = vector.broadcast %mul3A_623 : i32 to vector<1024x1xi32>
    %mul3A_625 = arith.muli %and3A_622, %mul3A_624 : vector<1024x1xi32>
    %add3A_626 = arith.addi %mul3A_625, %convert_element_type3A_618 : vector<1024x1xi32>
    %swap3A_627 = arith.constant 0 : index
    %swap3A_628 = arith.constant 0 : index
    %swap3A_629 = arith.constant 8 : index
    %swap3A_630 = vector.load %arg4[%swap3A_627, %swap3A_628, %swap3A_629] : memref<1x1024x11xi32, #tpu.memory_space<vmem>>, vector<1x1024x1xi32>
    %swap3A_631 = vector.shape_cast %swap3A_630 : vector<1x1024x1xi32> to vector<1024x1xi32>
    %swap3A_632 = vector.shape_cast %add3A_626 : vector<1024x1xi32> to vector<1x1024x1xi32>
    tpu.vector_store %arg4[%swap3A_627, %swap3A_628, %swap3A_629], %swap3A_632 {strides = array<i32>} : memref<1x1024x11xi32, #tpu.memory_space<vmem>>, vector<1x1024x1xi32>,
    %eq3A_633 = vector.broadcast %broadcast_in_dim3A_617 : vector<1024x1xf32> to vector<1024x128xf32>
    %eq3A_634 = arith.cmpf oeq, %convert_element_type3A, %eq3A_633 : vector<1024x128xf32>
    %select_n3A_635 = arith.select %eq3A_634, %select_n3A_605, %select_n3A_604 : vector<1024x128xi1>, vector<1024x128xf32>
    %select_n3A_636 = arith.select %eq3A_634, %select_n3A_606, %select_n3A_605 : vector<1024x128xi1>, vector<1024x128xf32>
    %reduce_min3A_637 = arith.constant dense<0x7F800000> : vector<1024xf32>
    %reduce_min3A_638 = vector.multi_reduction <minimumf>, %select_n3A_635, %reduce_min3A_637 [1] : vector<1024x128xf32> to vector<1024xf32>
    %broadcast_in_dim3A_639 = vector.shape_cast %reduce_min3A_638 : vector<1024xf32> to vector<1024x1xf32>
    %eq3A_640 = vector.broadcast %broadcast_in_dim3A_639 : vector<1024x1xf32> to vector<1024x128xf32>
    %eq3A_641 = arith.cmpf oeq, %select_n3A_635, %eq3A_640 : vector<1024x128xf32>
    %jit3A_642 = arith.constant 1.280000e+02 : f32
    %broadcast_in_dim3A_643 = vector.broadcast %jit3A_642 : f32 to vector<1024x128xf32>
    %select_n3A_644 = arith.select %eq3A_641, %convert_element_type3A, %broadcast_in_dim3A_643 : vector<1024x128xi1>, vector<1024x128xf32>
    %reduce_min3A_645 = arith.constant dense<0x7F800000> : vector<1024xf32>
    %reduce_min3A_646 = vector.multi_reduction <minimumf>, %select_n3A_644, %reduce_min3A_645 [1] : vector<1024x128xf32> to vector<1024xf32>
    %broadcast_in_dim3A_647 = vector.shape_cast %reduce_min3A_646 : vector<1024xf32> to vector<1024x1xf32>
    %convert_element_type3A_648 = arith.fptosi %broadcast_in_dim3A_647 : vector<1024x1xf32> to vector<1024x1xi32>
    %bitcast_convert_type3A_649 = tpu.bitcast %broadcast_in_dim3A_639 : vector<1024x1xf32> -> vector<1024x1xi32>
    %and3A_650 = arith.constant 15 : i32
    %and3A_651 = vector.broadcast %and3A_650 : i32 to vector<1024x1xi32>
    %and3A_652 = arith.andi %bitcast_convert_type3A_649, %and3A_651 : vector<1024x1xi32>
    %mul3A_653 = arith.constant 128 : i32
    %mul3A_654 = vector.broadcast %mul3A_653 : i32 to vector<1024x1xi32>
    %mul3A_655 = arith.muli %and3A_652, %mul3A_654 : vector<1024x1xi32>
    %add3A_656 = arith.addi %mul3A_655, %convert_element_type3A_648 : vector<1024x1xi32>
    %swap3A_657 = arith.constant 0 : index
    %swap3A_658 = arith.constant 0 : index
    %swap3A_659 = arith.constant 9 : index
    %swap3A_660 = vector.load %arg4[%swap3A_657, %swap3A_658, %swap3A_659] : memref<1x1024x11xi32, #tpu.memory_space<vmem>>, vector<1x1024x1xi32>
    %swap3A_661 = vector.shape_cast %swap3A_660 : vector<1x1024x1xi32> to vector<1024x1xi32>
    %swap3A_662 = vector.shape_cast %add3A_656 : vector<1024x1xi32> to vector<1x1024x1xi32>
    tpu.vector_store %arg4[%swap3A_657, %swap3A_658, %swap3A_659], %swap3A_662 {strides = array<i32>} : memref<1x1024x11xi32, #tpu.memory_space<vmem>>, vector<1x1024x1xi32>,
    %eq3A_663 = vector.broadcast %broadcast_in_dim3A_647 : vector<1024x1xf32> to vector<1024x128xf32>
    %eq3A_664 = arith.cmpf oeq, %convert_element_type3A, %eq3A_663 : vector<1024x128xf32>
    %select_n3A_665 = arith.select %eq3A_664, %select_n3A_636, %select_n3A_635 : vector<1024x128xi1>, vector<1024x128xf32>
    %reduce_min3A_666 = arith.constant dense<0x7F800000> : vector<1024xf32>
    %reduce_min3A_667 = vector.multi_reduction <minimumf>, %select_n3A_665, %reduce_min3A_666 [1] : vector<1024x128xf32> to vector<1024xf32>
    %broadcast_in_dim3A_668 = vector.shape_cast %reduce_min3A_667 : vector<1024xf32> to vector<1024x1xf32>
    %eq3A_669 = vector.broadcast %broadcast_in_dim3A_668 : vector<1024x1xf32> to vector<1024x128xf32>
    %eq3A_670 = arith.cmpf oeq, %select_n3A_665, %eq3A_669 : vector<1024x128xf32>
    %jit3A_671 = arith.constant 1.280000e+02 : f32
    %broadcast_in_dim3A_672 = vector.broadcast %jit3A_671 : f32 to vector<1024x128xf32>
    %select_n3A_673 = arith.select %eq3A_670, %convert_element_type3A, %broadcast_in_dim3A_672 : vector<1024x128xi1>, vector<1024x128xf32>
    %reduce_min3A_674 = arith.constant dense<0x7F800000> : vector<1024xf32>
    %reduce_min3A_675 = vector.multi_reduction <minimumf>, %select_n3A_673, %reduce_min3A_674 [1] : vector<1024x128xf32> to vector<1024xf32>
    %broadcast_in_dim3A_676 = vector.shape_cast %reduce_min3A_675 : vector<1024xf32> to vector<1024x1xf32>
    %convert_element_type3A_677 = arith.fptosi %broadcast_in_dim3A_676 : vector<1024x1xf32> to vector<1024x1xi32>
    %bitcast_convert_type3A_678 = tpu.bitcast %broadcast_in_dim3A_668 : vector<1024x1xf32> -> vector<1024x1xi32>
    %and3A_679 = arith.constant 15 : i32
    %and3A_680 = vector.broadcast %and3A_679 : i32 to vector<1024x1xi32>
    %and3A_681 = arith.andi %bitcast_convert_type3A_678, %and3A_680 : vector<1024x1xi32>
    %mul3A_682 = arith.constant 128 : i32
    %mul3A_683 = vector.broadcast %mul3A_682 : i32 to vector<1024x1xi32>
    %mul3A_684 = arith.muli %and3A_681, %mul3A_683 : vector<1024x1xi32>
    %add3A_685 = arith.addi %mul3A_684, %convert_element_type3A_677 : vector<1024x1xi32>
    %swap3A_686 = arith.constant 0 : index
    %swap3A_687 = arith.constant 0 : index
    %swap3A_688 = arith.constant 10 : index
    %swap3A_689 = vector.load %arg4[%swap3A_686, %swap3A_687, %swap3A_688] : memref<1x1024x11xi32, #tpu.memory_space<vmem>>, vector<1x1024x1xi32>
    %swap3A_690 = vector.shape_cast %swap3A_689 : vector<1x1024x1xi32> to vector<1024x1xi32>
    %swap3A_691 = vector.shape_cast %add3A_685 : vector<1024x1xi32> to vector<1x1024x1xi32>
    tpu.vector_store %arg4[%swap3A_686, %swap3A_687, %swap3A_688], %swap3A_691 {strides = array<i32>} : memref<1x1024x11xi32, #tpu.memory_space<vmem>>, vector<1x1024x1xi32>,
    return
  }
  func.func @transform_0(%arg0: i32, %arg1: i32) -> (i32, i32, i32) {
    %c0_i32 = arith.constant 0 : i32
    %c0_i32_0 = arith.constant 0 : i32
    return %arg0, %arg1, %c0_i32 : i32, i32, i32
  }
  func.func @transform_1(%arg0: i32, %arg1: i32) -> (i32, i32, i32) {
    %c0_i32 = arith.constant 0 : i32
    %c0_i32_0 = arith.constant 0 : i32
    %c0_i32_1 = arith.constant 0 : i32
    return %arg0, %c0_i32, %c0_i32_0 : i32, i32, i32
  }
  func.func @transform_2(%arg0: i32, %arg1: i32) -> (i32, i32, i32) {
    %c0_i32 = arith.constant 0 : i32
    %c0_i32_0 = arith.constant 0 : i32
    return %arg0, %arg1, %c0_i32 : i32, i32, i32
  }
}

</mosaic_0001>

<sc_bundles>
// kernel: kernel.4.cloned.1.call-start
scs
__scs_entry_jumppad:
0x0: {  	(pc) =	sbr.rel $0x88, $3  }
0x1: {  	(tag) =	ssettag $0x0;
	lr =	simm.s32 $0x1  }
0x2: {  	[smem:$0x3F9F] =	sst lr;
	_ =	strace $0xD0000000  }
0x3: {  	_ = 	snop  }
0x4: {  	_ = 	snop  }
0x5: {  	_ = 	snop  }
0x6: {  	_ = 	snop  }
0x7: {  	_ = 	snop  }
__scs_overlays_trampoline_lowered:
0x8: {  	[smem:$0x3FAE] =	sst s0  }
0x9: {  	[smem:$0x3FAF] =	sst s1  }
0xa: {  	[smem:$0x3FB0] =	sst s2  }
0xb: {  	[smem:$0x3FB1] =	sst s3  }
0xc: {  	[smem:$0x3FB2] =	sst s4  }
0xd: {  	[smem:$0x3FB3] =	sst s5  }
0xe: {  	[smem:$0x3FB4] =	sst s6  }
0xf: {  	[smem:$0x3FB5] =	sst s7  }
0x10: {  	[smem:$0x3FB6] =	sst s8  }
0x11: {  	[smem:$0x3FB7] =	sst s9;
	s0 =	simm.s32 @!p0 $0x0  }
0x12: {  	s1 =	sld [smem:$0x3F9D];
	s0 =	simm.s32 @p0 $0x1  }
0x13: {  	[smem:$0x3FB8] =	sst s0;
	s0 =	simm.s32 @!p1 $0x0  }
0x14: {  	s2 =	sld [smem:$0x3F9C];
	s0 =	simm.s32 @p1 $0x1  }
0x15: {  	[smem:$0x3FB9] =	sst s0;
	s0 =	simm.s32 @!p2 $0x0  }
0x16: {  	s3 =	sld [smem:$0x3FDB];
	s0 =	simm.s32 @p2 $0x1  }
0x17: {  	s4 =	simm.s32 $0x1BF5;
	[smem:$0x3FBB] =	sst s0  }
0x18: {  	s0 =	sld [smem:$0x3F9E];
	_ =	swait.ge [sflag:s4], $0x0  }
0x19: {  	s7 =	sld [smem:$0x3F9F]  }
0x1a: {  	s8 =	sadd.s32 $0xFFFFE003, lr  }
0x1b: {  	s9 =	sadd.s32 $0xFFFFFEF7, lr;
	s5 =	simm.s32 $0xFFFFFFFF;
	p2 =	slt.u32 s8, $0xFFFFF086  }
0x1c: {  	p1 =	slt.u32 s9, $0xF7A;
	s5 =	simm.s32 @!p2 $0x0  }
0x1d: {  	s5 =	simm.s32 @p1 $0x1;
	p0 =	seq.s32 s7, s2  }
0x1e: {  	s7 =	smul.u32 @!p0 $0xF7A, s2;
	p2 =	seq.s32 @!p0 s5, $0x0  }
0x1f: {  	s9 =	smul.u32 $0xF7A, s1;
	s8 =	simm.s32 @!p0 $0x1BF5;
	p2 =	por !p2, p0  }
0x20: {  	[sflag:s8] =	ssyncset.s32 @!p0 $0xFFFFF086;
	s6 =	sadd.s32 @!p0 s3, s7;
	s7 =	simm.s32 @!p0 $0x108  }
0x21: {  	s3 =	sadd.s32 s3, s9;
	s6 =	sadd.s32 @!p0 $0x88, s6;
	s7 =	simm.s32 @p2 $0x1082  }
0x22: {  	[simem:s7], [sflag:s8] =	dma.local @!p0 [hbm:s6], $0xF7A  }
0x23: {  	s9 =	sor.u32 $0xD0000000, s2;
	s6 =	simm.s32 $0x108;
	_ =	swait.ge @!p0 [sflag:s8], $0x0  }
0x24: {  	s3 =	sadd.s32 $0x88, s3;
	s6 =	simm.s32 @!p1 $0x1082;
	[sflag:s4] =	ssyncset.s32 $0xFFFFF086  }
0x25: {  	[simem:s6], [sflag:s4] =	dma.local [hbm:s3], $0xF7A  }
0x26: {  	[smem:$0x3F9F] =	sst s1;
	(tag) =	ssettag s2;
	_ =	strace s9  }
0x27: {  	s1 =	sld [smem:$0x3FAF]  }
0x28: {  	s2 =	sld [smem:$0x3FB0]  }
0x29: {  	s4 =	sld [smem:$0x3FB2]  }
0x2a: {  	p0 =	seq.s32 s5, $0x0;
	s5 =	sld [smem:$0x3FB3]  }
0x2b: {  	s6 =	sld [smem:$0x3FB4]  }
0x2c: {  	s7 =	sld [smem:$0x3FB5]  }
0x2d: {  	s3 =	simm.s32 $0x108;
	s8 =	sld [smem:$0x3FB6]  }
0x2e: {  	s3 =	simm.s32 @!p0 $0x1082;
	s9 =	sld [smem:$0x3FB7]  }
0x2f: {  	lr =	sadd.s32 s0, s3;
	s0 =	sld [smem:$0x3FAE]  }
0x30: {  	s3 =	sld [smem:$0x3FB1]  }
0x31: {  	[smem:$0x3FBA] =	sst s10  }
0x32: {  	s10 =	sld [smem:$0x3FB8];
	_ =	sdelay $0x3  }
0x33: {  	p0 =	seq.s32 s10, $0x1;
	s10 =	sld [smem:$0x3FBA];
	_ =	sdelay $0x3  }
0x34: {  	[smem:$0x3FBA] =	sst s10  }
0x35: {  	s10 =	sld [smem:$0x3FB9];
	_ =	sdelay $0x3  }
0x36: {  	p1 =	seq.s32 s10, $0x1;
	s10 =	sld [smem:$0x3FBA];
	_ =	sdelay $0x3  }
0x37: {  	[smem:$0x3FBA] =	sst s10  }
0x38: {  	s10 =	sld [smem:$0x3FBB]  }
0x39: {  	_ = 	snop;
	(pc) =	sbr.ind lr, $3  }
0x3a: {  	_ = 	snop  }
0x3b: {  	_ = 	snop  }
0x3c: {  	p2 =	seq.s32 s10, $0x1;
	s10 =	sld [smem:$0x3FBA]  }
0x3d: {  	_ =	shalt  }
0x3e: {  	_ =	shalt  }
0x3f: {  	_ =	shalt  }
0x40: {  	_ =	shalt  }
0x41: {  	_ =	shalt  }
0x42: {  	_ =	shalt  }
0x43: {  	_ =	shalt  }
0x44: {  	_ =	shalt  }
0x45: {  	_ =	shalt  }
0x46: {  	_ =	shalt  }
0x47: {  	_ =	shalt  }
0x48: {  	_ =	shalt  }
0x49: {  	_ =	shalt  }
0x4a: {  	_ =	shalt  }
0x4b: {  	_ =	shalt  }
0x4c: {  	_ =	shalt  }
0x4d: {  	_ =	shalt  }
0x4e: {  	_ =	shalt  }
0x4f: {  	_ =	shalt  }
0x50: {  	_ =	shalt  }
0x51: {  	_ =	shalt  }
0x52: {  	_ =	shalt  }
0x53: {  	_ =	shalt  }
0x54: {  	_ =	shalt  }
0x55: {  	_ =	shalt  }
0x56: {  	_ =	shalt  }
0x57: {  	_ =	shalt  }
0x58: {  	_ =	shalt  }
0x59: {  	_ =	shalt  }
0x5a: {  	_ =	shalt  }
0x5b: {  	_ =	shalt  }
0x5c: {  	_ =	shalt  }
0x5d: {  	_ =	shalt  }
0x5e: {  	_ =	shalt  }
0x5f: {  	_ =	shalt  }
0x60: {  	_ =	shalt  }
0x61: {  	_ =	shalt  }
0x62: {  	_ =	shalt  }
0x63: {  	_ =	shalt  }
0x64: {  	_ =	shalt  }
0x65: {  	_ =	shalt  }
0x66: {  	_ =	shalt  }
0x67: {  	_ =	shalt  }
0x68: {  	_ =	shalt  }
0x69: {  	_ =	shalt  }
0x6a: {  	_ =	shalt  }
0x6b: {  	_ =	shalt  }
0x6c: {  	_ =	shalt  }
0x6d: {  	_ =	shalt  }
0x6e: {  	_ =	shalt  }
0x6f: {  	_ =	shalt  }
0x70: {  	_ =	shalt  }
0x71: {  	_ =	shalt  }
0x72: {  	_ =	shalt  }
0x73: {  	_ =	shalt  }
0x74: {  	_ =	shalt  }
0x75: {  	_ =	shalt  }
0x76: {  	_ =	shalt  }
0x77: {  	_ =	shalt  }
0x78: {  	_ =	shalt  }
0x79: {  	_ =	shalt  }
0x7a: {  	_ =	shalt  }
0x7b: {  	_ =	shalt  }
0x7c: {  	_ =	shalt  }
0x7d: {  	_ =	shalt  }
0x7e: {  	_ =	shalt  }
0x7f: {  	_ =	shalt  }
0x80: {  	_ =	shalt  }
0x81: {  	_ =	shalt  }
0x82: {  	_ =	shalt  }
0x83: {  	_ =	shalt  }
0x84: {  	_ =	shalt  }
0x85: {  	_ =	shalt  }
0x86: {  	_ =	shalt  }
0x87: {  	_ =	shalt  }
.Lfunc_end0:
.L_simem_size_0:
called_computation_lowered:
.L_overlay_start_0:
0x88: {  	s2 =	sld [smem:$0x3FD9]  }
0x89: {  	s3 =	sld [smem:$0x3FFE];
	_ =	sdelay $0x1  }
0x8a: {  	s1 =	srdreg.scid  }
0x8b: {  	s0 =	sand.u32 $0x1, s1  }
0x8c: {  	s16 =	sshll.u32 s0, $0xA;
	s2 =	sadd.s32 s3, s2  }
0x8d: {  	s2 =	sadd.s32 s2, s16  }
0x8e: {  	[smem:$0x3FC6] =	sst s2  }
0x8f: {  	_ = 	snop  }
0x90: {  	(tm) =	ssettm $0x1  }
0x91: {  	s17 =	sld [smem:$0x3FFB];
	_ =	sdelay $0x3  }
0x92: {  	_ =	strace s17  }
0x93: {  	s2 =	sld [smem:$0x3FFC];
	_ =	sdelay $0x3  }
0x94: {  	_ =	strace s2  }
0x95: {  	s2 =	sld [smem:$0x3FFD];
	_ =	sdelay $0x3  }
0x96: {  	_ =	strace s2  }
0x97: {  	_ =	strace $0x8FFFFFFF  }
0x98: {  	s18 =	sld [smem:$0x3FDB];
	_ =	sdelay $0x1  }
0x99: {  	s19 =	simm.s32 $_scs_section_size  }
0x9a: {  	s4 =	simm.s32 $_size__tile_overlayer_lowered;
	s5 =	simm.s32 $_tile_overlayer_lowered  }
0x9b: {  	s22 =	simm.s32 $0x1BFF;
	s21 =	sshll.u32 s5, $0x1;
	s2 =	sadd.s32 s19, s18  }
0x9c: {  	s6 =	simm.s32 $0x0;
	s20 =	sshll.u32 s4, $0x1;
	s4 =	sadd.s32 s21, s2  }
0x9d: {  	[timem:s6], [sflag:s22] =	dma.local [hbm:s4], s20  }
0x9e: {  	_ =	swait.ge [sflag:s22], s20  }
0x9f: {  	s3 =	ssub.s32 $0x0, s20;
	[sflag:s22] =	ssyncset.done $0x0  }
0xa0: {  	[sflag:s22] =	ssyncadd.s32 s3;
	_ =	sdelay $0x1  }
0xa1: {  	s23 =	simm.s32 $0x1B8B  }
0xa2: {  	_ =	swait.ge [sflag:s23], $0x1  }
0xa3: {  	[sflag:s23] =	ssyncset.done $0x0  }
0xa4: {  	s25 =	simm.s32 $0x1B8E;
	s24 =	sld [smem:$0x3FFE];
	[sflag:s23] =	ssyncadd.s32 $0xFFFFFFFF  }
0xa5: {  	s26 =	simm.s32 $execute0_lowered;
	[smem:$0x3FD2] =	sst s25  }
0xa6: {  	s4 =	sshll.u32 s26, $0x1;
	_ =	strace $0x80000046;
	[dreg:$0x1] =	wrdreg $0xFFFFFFFF  }
0xa7: {  	s28 =	simm.s32 $_size_execute0_lowered;
	s2 =	sadd.s32 s2, s4;
	[dreg:$0x0] =	wrdreg $0x0  }
0xa8: {  	s4 =	sshll.u32 s28, $0x1;
	[dreg:$0x2] =	wrdreg s2  }
0xa9: {  	[dreg:$0x3] =	wrdreg s4  }
0xaa: {  	[dreg:$0x4] =	wrdreg $0xC0  }
0xab: {  	_ =	task [dreg:s6], $0x5FFFF  }
0xac: {  	[dreg:$0x1] =	wrdreg $0xFFFFFFFF  }
0xad: {  	[dreg:$0x0] =	wrdreg $0x60  }
0xae: {  	[dreg:$0x2] =	wrdreg s24  }
0xaf: {  	[dreg:$0x3] =	wrdreg $0x9  }
0xb0: {  	_ =	task.clear_ibuf [dreg:s6], $0x4FFFF;
	_ =	strace $0x90000046  }
0xb1: {  	s29 =	simm.s32 $0x9;
	_ =	strace $0x80000048  }
0xb2: {  	_ =	swait.ge [sflag:s29], $0x1  }
0xb3: {  	[sflag:s29] =	ssyncadd.s32 $0xFFFFFFFF  }
0xb4: {  	_ =	strace $0x90000048  }
0xb5: {  	_ =	sfence  }
0xb6: {  	s30 =	sld [smem:$0x0];
	_ =	sdelay $0x2  }
0xb7: {  	s31 =	sshll.u32 s1, $0xD;
	s1 =	sshrl.u32 s1, $0x2  }
0xb8: {  	s3 =	sand.u32 $0x4000, s31;
	s1 =	sadd.s32 s1, s30  }
0xb9: {  	s0 =	sor.u32 s3, s0;
	s1 =	sshll.u32 s1, $0x11  }
0xba: {  	s0 =	sor.u32 s1, s0  }
0xbb: {  	s0 =	sadd.s32 $0x8F2B, s0  }
0xbc: {  	[sflag:s0] =	ssyncadd.remote.s32 $0x1  }
0xbd: {  	_ =	sfence.sel $0xFFFF  }
0xbe: {  	[dreg:$0x0] =	wrdreg $0xFFFFFFFF;
	(pc) =	sbr.abs _section_cstart, $3  }
0xbf: {  	[dreg:$0x1] =	wrdreg $0xFFFFFFFF  }
0xc0: {  	_ =	task.clear_ibuf [dreg:s6], $0x2FFFF;
	_ =	strace $0x9FFFFFFF  }
0xc1: {  	(tm) =	ssettm $0x7FFFFFFF  }
tec
execute0_lowered:
.L_overlay_start_1:
0x0: {  	(tag) =	ssettag $0x1  }
0x1: {  	s3 =	rddreg [dreg:$0x0]  }
0x2: {  	s0 =	rddreg [dreg:$0x1]  }
0x3: {  	s2 =	simm.s32 $0x0;
	s4 =	srdreg.scid;
	s1 =	stileid.u32  }
0x4: {  	s11 =	simm.s32 $0x3400;
	s12 =	simm.s32 $0x0;
	[smem:$0x7FF] =	sst s2  }
0x5: {  	s4 =	sand.u32 $0x1, s4;
	s5 =	sshll.u32 s1, $0x1;
	s6 =	sshrl.u32 s1, $0x3  }
0x6: {  	_ =	strace $0x80000047;
	s5 =	sor.u32 s4, s5;
	s8 =	sshll.u32 s6, $0xB  }
0x7: {  	s6 =	sshll.u32 s6, $0xA;
	s4 =	ssub.s32 $0x2, s4;
	s7 =	sshll.u32 s5, $0x9  }
0x8: {  	s8 =	sadd.s32 s8, s3;
	s6 =	sadd.s32 s6, s3;
	s9 =	sshll.u32 s5, $0x5  }
0x9: {  	s5 =	sshll.u32 s5, $0x7;
	s30 =	sshrl.u32 s4, $0x1;
	s7 =	sadd.s32 s7, s3  }
0xa: {  	s9 =	sadd.s32 s9, s3;
	s5 =	sand.u32 $0x780, s5;
	s10 =	ssub.s32 s4, s30  }
0xb: {  	s3 =	sadd.s32 $0x1A00, s6;
	s31 =	sadd.s32 s5, s8;
	s5 =	sadd.s32 $0x2200, s7  }
0xc: {  	s6 =	sadd.s32 $0x6200, s9;
	s7 =	smax.u32 s10, $0x1;
	s8 =	simm.s32 $0x1  }
0xd: {  	s9 =	simm.s32 $0x2000;
	s10 =	simm.s32 $0x2400;
	s4 =	sadd.s32 $0xA00, s31  }
.LBB2_1:
0xe: {  	[tilespmem:s2], [sflag:$0x1] =	stream.linear.gather [hbm4b:s3+s2], $0x2000, $0x38;
	[tilespmem:$0x3500] =	vst v63  }
0xf: {  	_ =	swait.ge [sflag:s8], $0x2000  }
0x10: {  	[sflag:s8] =	ssyncset.done $0x0  }
0x11: {  	[sflag:s8] =	ssyncadd.s32 $0xFFFFE000  }
0x12: {  	[tilespmem:s9], [sflag:$0x1] =	stream.linear.gather [hbm4b:s4+s2], $0x400, $0x38;
	[tilespmem:$0x3500] =	vst v63  }
0x13: {  	_ =	swait.ge [sflag:s8], $0x400  }
0x14: {  	[sflag:s8] =	ssyncset.done $0x0  }
0x15: {  	[sflag:s8] =	ssyncadd.s32 $0xFFFFFC00  }
0x16: {  	[tilespmem:s10], [sflag:$0x1] =	stream.linear.gather [hbm4b:s5+s2], $0x1000, $0x38;
	[tilespmem:$0x3500] =	vst v63  }
0x17: {  	_ =	swait.ge [sflag:s8], $0x1000  }
0x18: {  	s13 =	simm.s32 $0x0;
	[sflag:s8] =	ssyncset.done $0x0  }
0x19: {  	s14 =	simm.s32 $0x3400;
	s15 =	simm.s32 $0x0;
	[sflag:s8] =	ssyncadd.s32 $0xFFFFF000  }
.LBB2_2:
0x1a: {  	s16 =	sshll.u32 s15, $0x7  }
0x1b: {  	s17 =	sand.u32 $0x70, s13;
	s16 =	sand.u32 $0x3FFFFC00, s16  }
0x1c: {  	s16 =	sor.u32 s17, s16  }
0x1d: {  	v0 =	vld [tilespmem:s16+$0x2400]  }
0x1e: {  	v15 =	vld [tilespmem:s16+$0x2580]  }
0x1f: {  	s18 =	sshll.u32 s15, $0x6  }
0x20: {  	s18 =	sand.u32 $0x3FFFFE00, s18  }
0x21: {  	s17 =	sor.u32 s17, s18;
	v6 =	vld [tilespmem:s16+$0x2480]  }
0x22: {  	v3 =	vld [tilespmem:s17+$0x2000];
	v1 =	vshll.u32 v0, $0x2  }
0x23: {  	v2 =	vld [tilespmem:s17+$0x2080];
	v0 =	vand.u32 $0x7F, v0;
	v18 =	vshll.u32 v15, $0x2;
	v1 =	vand.u32 $0xFFFFFE00, v1  }
0x24: {  	v8 =	vld [tilespmem:s16+$0x2500];
	v15 =	vand.u32 $0x7F, v15;
	v18 =	vand.u32 $0xFFFFFE00, v18;
	v0 =	vor.u32 v0, v1  }
0x25: {  	v33 =	vld [tilespmem:s16+$0x2600];
	v15 =	vor.u32 v15, v18  }
0x26: {  	v47 =	vld [tilespmem:s16+$0x2680];
	v5 =	vor.u32 $0x80, v0  }
0x27: {  	v54 =	vld [tilespmem:s16+$0x2700];
	v7 =	vor.u32 $0x100, v0  }
0x28: {  	v1 =	vld [tilespmem:s17+$0x2100];
	v18 =	vor.u32 $0x80, v15  }
0x29: {  	v26 =	vshll.u32 v6, $0x2;
	v20 =	vor.u32 $0x100, v15;
	v4 =	vld.idx.msk [tilespmem:v0+s2+$0x0], $0xffff  }
0x2a: {  	v6 =	vand.u32 $0x7F, v6;
	v0 =	vand.u32 $0xFFFFFE00, v26;
	v15 =	vld.idx.msk [tilespmem:v15+s2+$0x0], $0xffff  }
0x2b: {  	v5 =	vld.idx.msk [tilespmem:v5+s2+$0x0], $0xffff;
	v0 =	vor.u32 v6, v0  }
0x2c: {  	v6 =	vld.idx.msk [tilespmem:v7+s2+$0x0], $0xffff;
	v27 =	vor.u32 $0x80, v0  }
0x2d: {  	v28 =	vshll.u32 v8, $0x2;
	v8 =	vand.u32 $0x7F, v8;
	v19 =	vshll.u32 v33, $0x2;
	v18 =	vld.idx.msk [tilespmem:v18+s2+$0x0], $0xffff  }
0x2e: {  	v51 =	vshll.u32 v47, $0x2;
	v52 =	vand.u32 $0x7F, v47;
	v39 =	vld.idx.msk [tilespmem:v20+s2+$0x0], $0xffff;
	v9 =	vor.u32 $0x100, v0  }
0x2f: {  	v24 =	vshll.u32 v54, $0x2;
	v25 =	vand.u32 $0x7F, v54;
	v19 =	vand.u32 $0xFFFFFE00, v19  }
0x30: {  	v10 =	vsub.f32 v3, v4;
	v41 =	vsub.f32 v15, v4;
	v12 =	vld.idx.msk [tilespmem:v0+s2+$0x0], $0xffff;
	v0 =	vand.u32 $0xFFFFFE00, v28  }
0x31: {  	v48 =	vsub.f32 v3, v15;
	v11 =	vsub.f32 v2, v5;
	v7 =	vld.idx.msk [tilespmem:v27+s2+$0x0], $0xffff;
	v8 =	vor.u32 v8, v0  }
0x32: {  	v13 =	vsub.f32 v1, v6;
	v42 =	vsub.f32 v18, v5;
	v14 =	vor.u32 $0x80, v8  }
0x33: {  	v44 =	vsub.f32 v39, v6;
	v10 =	vmul.f32 v10, v10;
	v9 =	vld.idx.msk [tilespmem:v9+s2+$0x0], $0xffff;
	v32 =	vor.u32 $0x100, v8  }
0x34: {  	v49 =	vsub.f32 v2, v18;
	v11 =	vmul.f32 v11, v11;
	v30 =	vmul.f32 v13, v13  }
0x35: {  	v13 =	vand.u32 $0x7F, v33;
	v31 =	vsub.f32 v12, v4;
	v12 =	vsub.f32 v3, v12  }
0x36: {  	v13 =	vor.u32 v13, v19;
	v16 =	vsub.f32 v7, v5;
	v8 =	vld.idx.msk [tilespmem:v8+s2+$0x0], $0xffff;
	v7 =	vsub.f32 v2, v7  }
0x37: {  	v29 =	vadd.f32 v11, v10;
	v19 =	vor.u32 $0x80, v13;
	v37 =	vor.u32 $0x100, v13;
	v14 =	vld.idx.msk [tilespmem:v14+s2+$0x0], $0xffff  }
0x38: {  	v17 =	vsub.f32 v9, v6;
	v12 =	vmul.f32 v12, v12;
	v11 =	vld.idx.msk [tilespmem:v32+s2+$0x0], $0xffff;
	v7 =	vmul.f32 v7, v7  }
0x39: {  	v33 =	vld [tilespmem:s16+$0x2780];
	v9 =	vsub.f32 v1, v9;
	v10 =	vmul.f32 v31, v31;
	v16 =	vmul.f32 v16, v16  }
0x3a: {  	v15 =	vmul.f32 v49, v49;
	v0 =	vadd.f32 v30, v29;
	v7 =	vadd.f32 v7, v12  }
0x3b: {  	v9 =	vmul.f32 v9, v9;
	v13 =	vld.idx.msk [tilespmem:v13+s2+$0x0], $0xffff;
	v10 =	vadd.f32 v16, v10;
	v12 =	vsub.f32 v1, v39  }
0x3c: {  	v17 =	vmul.f32 v17, v17;
	v21 =	vsub.f32 v8, v4;
	v8 =	vsub.f32 v3, v8  }
0x3d: {  	v40 =	vld.idx.msk [tilespmem:v19+s2+$0x0], $0xffff;
	v19 =	vmul.f32 v42, v42;
	v22 =	vsub.f32 v14, v5;
	v36 =	vsub.f32 v11, v6  }
0x3e: {  	v43 =	vld.idx.msk [tilespmem:v37+s2+$0x0], $0xffff;
	v39 =	vshll.u32 v33, $0x2;
	v7 =	vadd.f32 v9, v7;
	v14 =	vsub.f32 v2, v14  }
0x3f: {  	v10 =	vadd.f32 v17, v10;
	v11 =	vsub.f32 v1, v11;
	v57 =	vmul.f32 v12, v12  }
0x40: {  	v34 =	vmul.f32 v21, v21;
	v8 =	vmul.f32 v8, v8;
	v45 =	vsub.f32 v13, v4  }
0x41: {  	v13 =	vsub.f32 v3, v13;
	v35 =	vmul.f32 v22, v22;
	v16 =	vmul.f32 v36, v36  }
0x42: {  	v7 =	vsub.f32 v7, v0;
	v14 =	vmul.f32 v14, v14;
	v46 =	vsub.f32 v40, v5  }
0x43: {  	v10 =	vmul.f32 $4.000000000e+00, v10;
	v22 =	vsub.f32 v43, v6;
	v17 =	vsub.f32 v2, v40  }
0x44: {  	v55 =	vsub.f32 v1, v43;
	v56 =	vmul.f32 v11, v11;
	v13 =	vmul.f32 v13, v13  }
0x45: {  	v8 =	vadd.f32 v14, v8;
	(erf) = vrcp.f32 v10;
	v14 =	vmul.f32 v44, v44  }
0x46: {  	v38 =	vadd.f32 v35, v34;
	v10 =	vmul.f32 v45, v45;
	v21 =	vmul.f32 v46, v46  }
0x47: {  	v49 =	vld [tilespmem:s16+$0x2C80];
	v40 =	vand.u32 $0x7F, v33;
	v50 =	vmul.f32 v22, v22;
	v17 =	vmul.f32 v17, v17  }
0x48: {  	v59 =	vmul.f32 v55, v55;
	v7 =	vmul.f32 v7, v7;
	v9 =	vadd.f32 v16, v38  }
0x49: {  	v16 =	vmul.f32 v41, v41;
	v10 =	vadd.f32 v21, v10;
	v58 =	vadd.f32 v17, v13  }
0x4a: {  	v8 =	vadd.f32 v56, v8;
	v13 =	vand.u32 $0xFFFFFE00, v24;
	v17 =	vand.u32 $0xFFFFFE00, v39  }
0x4b: {  	v13 =	vor.u32 v25, v13;
	v42 =	vor.u32 v40, v17;
	v16 =	vadd.f32 v19, v16  }
0x4c: {  	v56 =	vshll.u32 v49, $0x2;
	v9 =	vmul.f32 $4.000000000e+00, v9;
	v45 =	vor.u32 $0x80, v42  }
0x4d: {  	v23 =	vld [tilespmem:s16+$0x2D00];
	v34 =	vor.u32 $0x100, v13;
	v14 =	vadd.f32 v14, v16;
	v16 =	vand.u32 $0xFFFFFE00, v51  }
0x4e: {  	v38 =	vld [tilespmem:s16+$0x2C00];
	v10 =	vadd.f32 v50, v10;
	v62 =	vadd.f32 v59, v58;
	v16 =	vor.u32 v52, v16  }
0x4f: {  	v28 =	vor.u32 $0x80, v13;
	(erf) = vrcp.f32 v9;
	v9 =	vmul.f32 v48, v48  }
0x50: {  	v8 =	vsub.f32 v8, v0;
	v14 =	vmul.f32 $4.000000000e+00, v14;
	v53 =	vor.u32 $0x80, v16;
	v13 =	vld.idx.msk [tilespmem:v13+s2+$0x0], $0xffff  }
0x51: {  	v47 =	vor.u32 $0x100, v42;
	v9 =	vadd.f32 v15, v9;
	v60 =	vor.u32 $0x100, v16;
	v51 =	vld.idx.msk [tilespmem:v45+s2+$0x0], $0xffff  }
0x52: {  	v58 =	vshll.u32 v23, $0x2;
	v11 =	vsub.f32 v62, v0;
	(erf) = vrcp.f32 v14;
	v14 =	vld.idx.msk [tilespmem:v34+s2+$0x0], $0xffff  }
0x53: {  	v10 =	vmul.f32 $4.000000000e+00, v10;
	v46 =	vshll.u32 v38, $0x2;
	v9 =	vadd.f32 v57, v9;
	v61 =	vld.idx.msk [tilespmem:v16+s2+$0x0], $0xffff  }
0x54: {  	v8 =	vmul.f32 v8, v8;
	v11 =	vmul.f32 v11, v11;
	v20 =	vand.u32 $0xFFFFFE00, v46;
	v26 =	vpop (erf);
	v16 =	vld.idx.msk [tilespmem:v28+s2+$0x0], $0xffff  }
0x55: {  	v7 =	vmul.f32 v26, v7;
	(erf) = vrcp.f32 v10;
	v9 =	vsub.f32 v9, v0;
	v63 =	vld.idx.msk [tilespmem:v53+s2+$0x0], $0xffff  }
0x56: {  	v15 =	vld.idx.msk [tilespmem:v60+s2+$0x0], $0xffff;
	v43 =	vsub.f32 v13, v4;
	v13 =	vsub.f32 v3, v13;
	v60 =	vand.u32 $0x7F, v23  }
0x57: {  	v9 =	vmul.f32 v9, v9;
	v62 =	vsub.f32 v51, v5;
	v48 =	vsub.f32 v14, v6  }
0x58: {  	v55 =	vld.idx.msk [tilespmem:v47+s2+$0x0], $0xffff;
	v27 =	vpop (erf);
	v17 =	vmul.f32 v43, v43;
	v53 =	vmul.f32 v13, v13;
	v14 =	vsub.f32 v1, v14  }
0x59: {  	v8 =	vmul.f32 v27, v8;
	v31 =	vsub.f32 v61, v4;
	v10 =	vsub.f32 v3, v61  }
0x5a: {  	v22 =	vmul.f32 v62, v62;
	v44 =	vsub.f32 v16, v5;
	v16 =	vsub.f32 v2, v16  }
0x5b: {  	v14 =	vmul.f32 v14, v14;
	v32 =	vsub.f32 v63, v5;
	v7 =	vmin.f32 v7, v8  }
0x5c: {  	v12 =	vsub.f32 v2, v63;
	v35 =	vmul.f32 v31, v31;
	v10 =	vmul.f32 v10, v10  }
0x5d: {  	v63 =	vsub.f32 v55, v6;
	v29 =	vpop (erf);
	v18 =	vmul.f32 v44, v44;
	v54 =	vmul.f32 v16, v16  }
0x5e: {  	v37 =	vsub.f32 v15, v6;
	v9 =	vmul.f32 v29, v9;
	v36 =	vmul.f32 v32, v32  }
0x5f: {  	v41 =	vsub.f32 v1, v15;
	v30 =	vpop (erf);
	v12 =	vmul.f32 v12, v12;
	v31 =	vmul.f32 v63, v63  }
0x60: {  	v11 =	vmul.f32 v30, v11;
	v17 =	vadd.f32 v18, v17;
	v7 =	vmin.f32 v7, v9  }
0x61: {  	v15 =	vld.idx.msk [tilespmem:v42+s2+$0x0], $0xffff;
	v8 =	vadd.f32 v36, v35;
	v9 =	vmul.f32 v37, v37;
	v10 =	vadd.f32 v12, v10  }
0x62: {  	v12 =	vmul.f32 v48, v48;
	v7 =	vmin.f32 v7, v11;
	v11 =	vand.u32 $0x7F, v38  }
0x63: {  	v37 =	vsub.f32 v2, v51;
	v8 =	vadd.f32 v9, v8;
	v11 =	vor.u32 v11, v20  }
0x64: {  	v9 =	vmul.f32 v41, v41;
	v12 =	vadd.f32 v12, v17;
	v50 =	vor.u32 $0x80, v11  }
0x65: {  	v20 =	vand.u32 $0x7F, v49;
	v17 =	vand.u32 $0xFFFFFE00, v56;
	v52 =	vor.u32 $0x100, v11  }
0x66: {  	v61 =	vsub.f32 v15, v4;
	v17 =	vor.u32 v20, v17;
	v20 =	vand.u32 $0xFFFFFE00, v58  }
0x67: {  	v9 =	vadd.f32 v9, v10;
	v10 =	vadd.f32 v54, v53;
	v59 =	vor.u32 $0x80, v17  }
0x68: {  	v35 =	vsub.f32 v3, v15;
	v20 =	vor.u32 v60, v20;
	v27 =	vor.u32 $0x100, v17;
	v11 =	vld.idx.msk [tilespmem:v11+s2+$0x0], $0xffff  }
0x69: {  	v8 =	vmul.f32 $4.000000000e+00, v8;
	v10 =	vadd.f32 v14, v10;
	v14 =	vmul.f32 v61, v61;
	v57 =	vld.idx.msk [tilespmem:v50+s2+$0x0], $0xffff  }
0x6a: {  	v49 =	vsub.f32 v1, v55;
	v12 =	vmul.f32 $4.000000000e+00, v12;
	v24 =	vor.u32 $0x80, v20;
	v19 =	vld.idx.msk [tilespmem:v52+s2+$0x0], $0xffff  }
0x6b: {  	v28 =	vor.u32 $0x100, v20;
	(erf) = vrcp.f32 v8;
	v17 =	vld.idx.msk [tilespmem:v17+s2+$0x0], $0xffff;
	v14 =	vadd.f32 v22, v14  }
0x6c: {  	v9 =	vsub.f32 v9, v0;
	(erf) = vrcp.f32 v12;
	v12 =	vmul.f32 v37, v37;
	v21 =	vld.idx.msk [tilespmem:v59+s2+$0x0], $0xffff  }
0x6d: {  	v10 =	vsub.f32 v10, v0;
	v20 =	vld.idx.msk [tilespmem:v20+s2+$0x0], $0xffff;
	v34 =	vadd.f32 v31, v14;
	v14 =	vmul.f32 v35, v35  }
0x6e: {  	v36 =	vld.idx.msk [tilespmem:v27+s2+$0x0], $0xffff;
	v25 =	vsub.f32 v11, v4;
	v11 =	vsub.f32 v3, v11  }
0x6f: {  	v12 =	vadd.f32 v12, v14;
	v26 =	vsub.f32 v57, v5  }
0x70: {  	v24 =	vld.idx.msk [tilespmem:v24+s2+$0x0], $0xffff;
	v29 =	vsub.f32 v19, v6;
	v13 =	vsub.f32 v2, v57  }
0x71: {  	v8 =	vmul.f32 $4.000000000e+00, v34;
	v40 =	vsub.f32 v17, v4;
	v47 =	vsub.f32 v3, v17  }
0x72: {  	v39 =	vld.idx.msk [tilespmem:v28+s2+$0x0], $0xffff;
	v50 =	vsub.f32 v1, v19;
	v25 =	vmul.f32 v25, v25;
	v41 =	vsub.f32 v21, v5  }
0x73: {  	v4 =	vsub.f32 v20, v4;
	v42 =	vsub.f32 v36, v6;
	v11 =	vmul.f32 v11, v11  }
0x74: {  	(erf) = vrcp.f32 v8;
	v3 =	vsub.f32 v3, v20;
	v26 =	vmul.f32 v26, v26  }
0x75: {  	v51 =	vsub.f32 v2, v21;
	v33 =	vmul.f32 v29, v29;
	v5 =	vsub.f32 v24, v5  }
0x76: {  	v23 =	vmul.f32 v40, v40;
	v32 =	vadd.f32 v26, v25;
	v25 =	vmul.f32 v41, v41  }
0x77: {  	v6 =	vsub.f32 v39, v6;
	v4 =	vmul.f32 v4, v4;
	v5 =	vmul.f32 v5, v5  }
0x78: {  	v44 =	vmul.f32 v13, v13;
	v43 =	vmul.f32 v42, v42;
	v23 =	vadd.f32 v25, v23  }
0x79: {  	v6 =	vmul.f32 v6, v6;
	v38 =	vadd.f32 v33, v32;
	v4 =	vadd.f32 v5, v4  }
0x7a: {  	v8 =	vmul.f32 v50, v50;
	v13 =	vmul.f32 v51, v51;
	v45 =	vadd.f32 v43, v23  }
0x7b: {  	v3 =	vmul.f32 v3, v3;
	v46 =	vmul.f32 $4.000000000e+00, v38;
	v4 =	vadd.f32 v6, v4  }
0x7c: {  	v5 =	vadd.f32 v44, v11;
	v11 =	vmul.f32 v49, v49;
	v48 =	vmul.f32 $4.000000000e+00, v45  }
0x7d: {  	v2 =	vsub.f32 v2, v24;
	(erf) = vrcp.f32 v46;
	v4 =	vmul.f32 $4.000000000e+00, v4  }
0x7e: {  	v52 =	vsub.f32 v1, v36;
	v6 =	vmul.f32 v47, v47;
	(erf) = vrcp.f32 v48  }
0x7f: {  	v1 =	vsub.f32 v1, v39;
	v2 =	vmul.f32 v2, v2;
	(erf) = vrcp.f32 v4  }
0x80: {  	v11 =	vadd.f32 v11, v12;
	v6 =	vadd.f32 v13, v6;
	v4 =	vmul.f32 v52, v52  }
0x81: {  	v1 =	vmul.f32 v1, v1;
	v2 =	vadd.f32 v2, v3;
	v5 =	vadd.f32 v8, v5  }
0x82: {  	v53 =	vmul.f32 v9, v9;
	v54 =	vsub.f32 v11, v0;
	v4 =	vadd.f32 v4, v6  }
0x83: {  	v56 =	vmul.f32 v10, v10;
	v55 =	vpop (erf);
	v1 =	vadd.f32 v1, v2;
	v5 =	vsub.f32 v5, v0  }
0x84: {  	v57 =	vpop (erf);
	v3 =	vmul.f32 v55, v53;
	v58 =	vmul.f32 v54, v54;
	v4 =	vsub.f32 v4, v0  }
0x85: {  	v2 =	vmul.f32 v57, v56;
	v59 =	vpop (erf);
	v5 =	vmul.f32 v5, v5;
	v0 =	vsub.f32 v1, v0  }
0x86: {  	v3 =	vmin.f32 v7, v3;
	v6 =	vmul.f32 v59, v58;
	v60 =	vpop (erf);
	v4 =	vmul.f32 v4, v4  }
0x87: {  	p0 =	sne.s32 s15, $0xF;
	v2 =	vmin.f32 v3, v2;
	v0 =	vmul.f32 v0, v0;
	v1 =	vmul.f32 v60, v5;
	v61 =	vpop (erf)  }
.Ltmp0:
0x88: {  	v2 =	vmin.f32 v2, v6;
	v62 =	vmul.f32 v61, v4;
	v63 =	vpop (erf);
	(pc) =	sbr.rel @p0 .LBB2_2-.Ltmp0, $4  }
0x89: {  	v1 =	vmin.f32 v2, v1;
	v0 =	vmul.f32 v63, v0  }
0x8a: {  	v1 =	vmin.f32 v1, v62  }
0x8b: {  	v0 =	vmin.f32 v1, v0  }
0x8c: {  	s13 =	sadd.s32 $0x10, s13;
	s15 =	sadd.s32 $0x1, s15;
	[tilespmem:s14+$0x0] =	vst v0;
	s14 =	sadd.s32 $0x10, s14  }
0x8d: {  	s12 =	sadd.s32 $0x1, s12  }
0x8e: {  	p0 =	sne.s32 s12, s7  }
.Ltmp1:
0x8f: {  	_ = 	snop;
	(pc) =	sbr.rel @p0 .LBB2_1-.Ltmp1, $4  }
0x90: {  	[hbm4b:s6+s2] =	stream.linear.scatter [tilespmem:s11], [sflag:$0x1], $0x100, $0x38;
	[tilespmem:$0x3500] =	vst v63  }
0x91: {  	_ =	swait.ge [sflag:s8], $0x100  }
0x92: {  	[sflag:s8] =	ssyncset.done $0x0  }
0x93: {  	[sflag:s8] =	ssyncadd.s32 $0xFFFFFF00  }
0x94: {  	_ =	sfence.sel $0x180000  }
0x95: {  	[bflag:$0x0] =	sbarrier.arrive $0xFFFF  }
0x96: {  	p0 =	sne.s32 s1, $0x0;
	_ =	strace $0x90000047  }
0x97: {  	s0 =	sadd.s32 @!p0 $0x100000, s0;
	[bflag:$0x2] =	sbarrier.arrive $0xFFFF  }
0x98: {  	[sflag:s0] =	ssyncadd.tile.s32 @!p0 $0x1;
	_ =	shalt  }
.Lfunc_end2:
_tile_overlayer_lowered:
.L_overlay_start_2:
0x99: {  	(tag) =	ssettag $0x2  }
0x9a: {  	s0 =	rddreg [dreg:$0x0];
	s2 =	stileid.u32  }
0x9b: {  	s1 =	rddreg [dreg:$0x1];
	p0 =	sne.s32 s2, $0x0  }
0x9c: {  	s3 =	rddreg [dreg:$0x2];
	[bflag:$0x3] =	sbarrier.arrive $0xFFFF;
	s2 =	simm.s32 @!p0 $0x1C01  }
0x9d: {  	[timem:s3], [sflag:s2] =	dma.local @!p0 [hbm:s0], s1  }
0x9e: {  	s0 =	simm.s32 @!p0 $0x1  }
0x9f: {  	_ =	swait.ge @!p0 [sflag:s0], s1  }
0xa0: {  	s1 =	ssub.s32 @!p0 $0x0, s1;
	[sflag:s0] =	ssyncset.done @!p0 $0x0  }
0xa1: {  	[sflag:s0] =	ssyncadd.s32 @!p0 s1  }
0xa2: {  	[bflag:$0x3] =	sbarrier.arrive $0xFFFF  }
0xa3: {  	_ =	shalt  }

</sc_bundles>
